<compile_context>
chip_gen: v7x
topology: tpu7x:2x2x1
jax: 0.10.2.dev20260603
libtpu: 0.0.44.dev20260713+nightly
codegen_flags: <defaults>
</compile_context>

<pallas_src>
import jax
import jax.numpy as jnp
from jax import lax
from jax.experimental import pallas as pl
from jax.experimental.pallas import tpu as pltpu
from jax.experimental.pallas import tpu_sc as plsc

B = 4096
SEQ = 50
DW = 300
VR = 1000001
N_OUT = 4
LANES = 16
PD = 128
NPACK = 16
S = 62592
NW = 32
RPW = B // NW
G = 4
NCH = RPW // G
GIDX = G * SEQ
SPLIT = 104
IDXW = RPW * SEQ
BM2 = 384
GSTEPS = S // BM2


def _lgather(ref, idx):
    return plsc.load_gather(ref, [idx])


def _lgather2(ref, ridx, cidx):
    return plsc.load_gather(ref, [ridx, cidx])



def _proj_body(*refs):
    wt_refs = refs[:NPACK]
    f_ref = refs[NPACK]
    out_ref = refs[NPACK + 1]
    acc = None
    for j in range(NPACK):
        d = lax.dot_general(
            wt_refs[j][...].astype(jnp.bfloat16),
            f_ref[:, pl.ds(j * PD, PD)].astype(jnp.bfloat16),
            (((0,), (0,)), ((), ())),
            preferred_element_type=jnp.float32)
        acc = d if acc is None else acc + d
    out_ref[...] = acc


VLB = pl.cdiv(VR, BM2)


def _make_wt_spec(j):
    return pl.BlockSpec(
        (DW, BM2), lambda i, j=j: (0, jnp.minimum(j * GSTEPS + i, VLB - 1)))


_proj = pl.pallas_call(
    _proj_body,
    grid=(GSTEPS,),
    in_specs=[_make_wt_spec(j) for j in range(NPACK)]
    + [pl.BlockSpec((DW, NPACK * PD), lambda i: (0, 0))],
    out_specs=pl.BlockSpec((BM2, PD), lambda i: (i, 0)),
    out_shape=jax.ShapeDtypeStruct((S, PD), jnp.float32),
)



def _pool_body(x_hbm, off_hbm, p_hbm, bias_hbm, out_hbm,
               idx_v, offs_v, buf0, buf1, bias_v, outst_v, tsc_v,
               idxa0, idxb0, idxa1, idxb1, sem0, sem1):
    cid = lax.axis_index("c")
    sid = lax.axis_index("s")
    wid = sid * 2 + cid

    base = pl.multiple_of(wid * IDXW, 8)
    pltpu.sync_copy(x_hbm.at[pl.ds(base, IDXW)], idx_v)
    pltpu.sync_copy(off_hbm.at[pl.ds(base, IDXW)], offs_v)
    pltpu.sync_copy(bias_hbm, bias_v)

    bufs = (buf0, buf1)
    sems = (sem0, sem1)
    idxas = (idxa0, idxa1)
    idxbs = (idxb0, idxb1)

    def _gather_descs(b):
        d0 = pltpu.make_async_copy(
            p_hbm.at[idxas[b]], bufs[b].at[pl.ds(0, SPLIT)], sems[b])
        d1 = pltpu.make_async_copy(
            p_hbm.at[idxbs[b]], bufs[b].at[pl.ds(SPLIT, GIDX - SPLIT)],
            sems[b])
        return d0, d1

    def _start(g, b):
        off = g * GIDX
        for k in range(SPLIT // LANES):
            idxas[b][pl.ds(k * LANES, LANES)] = \
                idx_v[pl.ds(off + k * LANES, LANES)]
        idxas[b][pl.ds(SPLIT - LANES, LANES)] = \
            idx_v[pl.ds(off + SPLIT - LANES, LANES)]
        for k in range((GIDX - SPLIT) // LANES):
            idxbs[b][pl.ds(k * LANES, LANES)] = \
                idx_v[pl.ds(off + SPLIT + k * LANES, LANES)]
        for d in _gather_descs(b):
            d.start()

    _start(0, 0)
    _start(1, 1)

    lane = lax.broadcasted_iota(jnp.int32, (LANES,), 0)
    pairsel = lane // 8
    lane7 = lane % 8
    tidx = (lane // N_OUT) * LANES + (lane % N_OUT)
    inv = jnp.float32(1.0 / SEQ)

    def _process(g, b):
        buf = bufs[b]
        for d in _gather_descs(b):
            d.wait()
        goff = g * GIDX
        for j in range(G):
            def pbody(p, acc, j=j):
                row = j * SEQ + 2 * p + pairsel
                colv = _lgather(offs_v, goff + row) + lane7
                return acc + _lgather2(buf, row, colv)
            acc = lax.fori_loop(0, SEQ // 2, pbody,
                                jnp.zeros((LANES,), jnp.float32))
            tsc_v[pl.ds(j * LANES, LANES)] = acc

        @pl.when(g + 2 < NCH)
        def _():
            _start(g + 2, b)

        vout = (_lgather(tsc_v, tidx) + _lgather(tsc_v, tidx + 8)) * inv \
            + bias_v[...]
        outst_v[pl.ds(g * LANES, LANES)] = vout

    def lbody(i, carry):
        _process(2 * i, 0)
        _process(2 * i + 1, 1)
        return carry

    lax.fori_loop(0, NCH // 2, lbody, 0)

    pltpu.sync_copy(
        outst_v,
        out_hbm.at[pl.ds(pl.multiple_of(wid * (NCH * LANES), 8), NCH * LANES)])


_pool = pl.kernel(
    _pool_body,
    out_type=jax.ShapeDtypeStruct((B * N_OUT,), jnp.float32),
    mesh=plsc.VectorSubcoreMesh(core_axis_name="c", subcore_axis_name="s"),
    compiler_params=pltpu.CompilerParams(
        needs_layout_passes=False, use_tc_tiling_on_sc=True),
    scratch_types=[
        pltpu.VMEM((IDXW,), jnp.int32),
        pltpu.VMEM((IDXW,), jnp.int32),
        pltpu.VMEM((GIDX, PD), jnp.float32),
        pltpu.VMEM((GIDX, PD), jnp.float32),
        pltpu.VMEM((LANES,), jnp.float32),
        pltpu.VMEM((NCH * LANES,), jnp.float32),
        pltpu.VMEM((G * LANES,), jnp.float32),
        pltpu.VMEM((SPLIT,), jnp.int32),
        pltpu.VMEM((GIDX - SPLIT,), jnp.int32),
        pltpu.VMEM((SPLIT,), jnp.int32),
        pltpu.VMEM((GIDX - SPLIT,), jnp.int32),
        pltpu.SemaphoreType.DMA,
        pltpu.SemaphoreType.DMA,
    ],
)


def kernel(x, weights, fc_w, fc_b):
    fs = jnp.zeros((DW, NPACK, PD), fc_w.dtype)
    for j in range(NPACK):
        fs = fs.at[:, j, 8 * j:8 * j + N_OUT].set(fc_w.T)
    p = _proj(weights.T, *([weights.T] * (NPACK - 1)),
              fs.reshape(DW, NPACK * PD))
    x_flat = x.reshape(-1)
    xj = x_flat // S
    x_g = x_flat - xj * S
    x_off = xj * 8
    bias16 = jnp.tile(fc_b, LANES // N_OUT)
    out_flat = _pool(x_g, x_off, p, bias16)
    return out_flat.reshape(B, N_OUT)

# --- scband reference (transcript-rebuilt; emitter-appended) ---
"""Pipeline reference for scband-net-16595753632531 (READ-ONLY COPY).

The authoritative reference and input builder live on the scoring server;
editing this copy changes nothing except your own understanding.
"""

import jax, jax.numpy as jnp
import numpy as np

V_SIZE = 1000001
DIM = 300
N_OUT = 4
BATCH = 4096
SEQ = 50

def setup_inputs(seed: int = 0) -> dict:
    key = jax.random.key(seed)
    k_x, k_w, k_fcw, k_fcb = jax.random.split(key, 4)
    x = jax.random.randint(k_x, (BATCH, SEQ), 0, V_SIZE, dtype=jnp.int64 if jax.config.jax_enable_x64 else jnp.int32).astype(jnp.int32)
    weights = jax.random.normal(k_w, (V_SIZE, DIM), dtype=jnp.float32) * 0.02
    weights = weights.at[0].set(0.0)  # padding_idx=0 row is zeros
    fc_w = jax.random.normal(k_fcw, (N_OUT, DIM), dtype=jnp.float32) * (1.0 / np.sqrt(DIM))
    fc_b = jnp.zeros((N_OUT,), dtype=jnp.float32)
    return {"x": x, "weights": weights, "fc_w": fc_w, "fc_b": fc_b}

def reference(x, weights, fc_w, fc_b):
    # nn.Embedding.from_pretrained(weights, padding_idx=0): pure gather
    e = jnp.take(weights, x, axis=0)            # [B, L, DIM]
    pooled = jnp.mean(e, axis=1)                # [B, DIM]
    out = pooled @ fc_w.T + fc_b                # [B, N_OUT]
    return out

if __name__ == "__main__":
    import jax
    _d = setup_inputs()
    print(jax.jit(kernel)(*tuple(_d.values())))

</pallas_src>

<mosaic_0001>
#map = affine_map<(d0, d1) -> (0)>
#map1 = affine_map<(d0, d1) -> (0, 0)>
module attributes {stable_mosaic.version = 14 : i64} {
  func.func @_pool_body(%arg0: i32, %arg1: i32, %arg2: memref<204800xi32, #tpu.memory_space<hbm>>, %arg3: memref<204800xi32, #tpu.memory_space<hbm>>, %arg4: memref<62592x128xf32, #tpu.memory_space<hbm>>, %arg5: memref<16xf32, #tpu.memory_space<hbm>>, %arg6: memref<16384xf32, #tpu.memory_space<hbm>>, %arg7: memref<6400xi32, #tpu.memory_space<vmem>>, %arg8: memref<6400xi32, #tpu.memory_space<vmem>>, %arg9: memref<200x128xf32, #tpu.memory_space<vmem>>, %arg10: memref<200x128xf32, #tpu.memory_space<vmem>>, %arg11: memref<16xf32, #tpu.memory_space<vmem>>, %arg12: memref<512xf32, #tpu.memory_space<vmem>>, %arg13: memref<64xf32, #tpu.memory_space<vmem>>, %arg14: memref<104xi32, #tpu.memory_space<vmem>>, %arg15: memref<96xi32, #tpu.memory_space<vmem>>, %arg16: memref<104xi32, #tpu.memory_space<vmem>>, %arg17: memref<96xi32, #tpu.memory_space<vmem>>, %arg18: memref<!tpu.dma_semaphore, #tpu.memory_space<semaphore_mem>>, %arg19: memref<!tpu.dma_semaphore, #tpu.memory_space<semaphore_mem>>) attributes {dimension_semantics = [#tpu.dimension_semantics<core_parallel>, #tpu.dimension_semantics<subcore_parallel>], iteration_bounds = array<i64: 2, 16>, scalar_prefetch = 0 : i64, scratch_operands = 13 : i64, tpu.core_type = #tpu.core_type<sc_vector_subcore>, window_params = [{transform_indices = #map}, {transform_indices = #map}, {transform_indices = #map1}, {transform_indices = #map}, {transform_indices = #map}]} {
    %mul3A = arith.constant 2 : i32
    %mul3A_0 = arith.muli %arg1, %mul3A : i32
    %add3A = arith.addi %mul3A_0, %arg0 : i32
    %mul3A_1 = arith.constant 6400 : i32
    %mul3A_2 = arith.muli %add3A, %mul3A_1 : i32
    %multiple_of3A = tpu.assume_multiple %mul3A_2, 8 : i32
    "tpu.region"() ({
      %run_scoped3A = tpu.sem_alloc : memref<!tpu.dma_semaphore, #tpu.memory_space<semaphore_mem>>
      %dma_start3A_237 = tpu.memref_slice %arg2[%multiple_of3A] : memref<204800xi32, #tpu.memory_space<hbm>> -> memref<6400xi32, #tpu.memory_space<hbm>>
      %dma_start3A_238 = tpu.memref_slice %arg2[%multiple_of3A] : memref<204800xi32, #tpu.memory_space<hbm>> -> memref<6400xi32, #tpu.memory_space<hbm>>
      tpu.enqueue_dma source(%dma_start3A_238 : memref<6400xi32, #tpu.memory_space<hbm>>) target(%arg7 : memref<6400xi32, #tpu.memory_space<vmem>>) target_semaphore(%run_scoped3A : memref<!tpu.dma_semaphore, #tpu.memory_space<semaphore_mem>>)
      %dma_wait3A = tpu.memref_slice %arg2[%multiple_of3A] : memref<204800xi32, #tpu.memory_space<hbm>> -> memref<6400xi32, #tpu.memory_space<hbm>>
      %dma_wait3A_239 = tpu.memref_slice %arg2[%multiple_of3A] : memref<204800xi32, #tpu.memory_space<hbm>> -> memref<6400xi32, #tpu.memory_space<hbm>>
      tpu.wait_dma2 semaphore(%run_scoped3A : memref<!tpu.dma_semaphore, #tpu.memory_space<semaphore_mem>>) src(%dma_wait3A_239 : memref<6400xi32, #tpu.memory_space<hbm>>) dst(%arg7 : memref<6400xi32, #tpu.memory_space<vmem>>)
      tpu.yield
    }) : () -> ()
    "tpu.region"() ({
      %run_scoped3A = tpu.sem_alloc : memref<!tpu.dma_semaphore, #tpu.memory_space<semaphore_mem>>
      %dma_start3A_237 = tpu.memref_slice %arg3[%multiple_of3A] : memref<204800xi32, #tpu.memory_space<hbm>> -> memref<6400xi32, #tpu.memory_space<hbm>>
      %dma_start3A_238 = tpu.memref_slice %arg3[%multiple_of3A] : memref<204800xi32, #tpu.memory_space<hbm>> -> memref<6400xi32, #tpu.memory_space<hbm>>
      tpu.enqueue_dma source(%dma_start3A_238 : memref<6400xi32, #tpu.memory_space<hbm>>) target(%arg8 : memref<6400xi32, #tpu.memory_space<vmem>>) target_semaphore(%run_scoped3A : memref<!tpu.dma_semaphore, #tpu.memory_space<semaphore_mem>>)
      %dma_wait3A = tpu.memref_slice %arg3[%multiple_of3A] : memref<204800xi32, #tpu.memory_space<hbm>> -> memref<6400xi32, #tpu.memory_space<hbm>>
      %dma_wait3A_239 = tpu.memref_slice %arg3[%multiple_of3A] : memref<204800xi32, #tpu.memory_space<hbm>> -> memref<6400xi32, #tpu.memory_space<hbm>>
      tpu.wait_dma2 semaphore(%run_scoped3A : memref<!tpu.dma_semaphore, #tpu.memory_space<semaphore_mem>>) src(%dma_wait3A_239 : memref<6400xi32, #tpu.memory_space<hbm>>) dst(%arg8 : memref<6400xi32, #tpu.memory_space<vmem>>)
      tpu.yield
    }) : () -> ()
    "tpu.region"() ({
      %run_scoped3A = tpu.sem_alloc : memref<!tpu.dma_semaphore, #tpu.memory_space<semaphore_mem>>
      tpu.enqueue_dma source(%arg5 : memref<16xf32, #tpu.memory_space<hbm>>) target(%arg11 : memref<16xf32, #tpu.memory_space<vmem>>) target_semaphore(%run_scoped3A : memref<!tpu.dma_semaphore, #tpu.memory_space<semaphore_mem>>)
      tpu.wait_dma2 semaphore(%run_scoped3A : memref<!tpu.dma_semaphore, #tpu.memory_space<semaphore_mem>>) src(%arg5 : memref<16xf32, #tpu.memory_space<hbm>>) dst(%arg11 : memref<16xf32, #tpu.memory_space<vmem>>)
      tpu.yield
    }) : () -> ()
    %get3A = arith.constant 0 : index
    %get3A_3 = tpu.vector_load %arg7[%get3A] {strides = array<i32>} : memref<6400xi32, #tpu.memory_space<vmem>>, vector<16xi32>,
    %swap3A = arith.constant 0 : index
    %swap3A_4 = tpu.vector_load %arg14[%swap3A] {strides = array<i32>} : memref<104xi32, #tpu.memory_space<vmem>>, vector<16xi32>,
    tpu.vector_store %arg14[%swap3A], %get3A_3 {strides = array<i32>} : memref<104xi32, #tpu.memory_space<vmem>>, vector<16xi32>,
    %get3A_5 = arith.constant 16 : index
    %get3A_6 = tpu.vector_load %arg7[%get3A_5] {strides = array<i32>} : memref<6400xi32, #tpu.memory_space<vmem>>, vector<16xi32>,
    %swap3A_7 = arith.constant 16 : index
    %swap3A_8 = tpu.vector_load %arg14[%swap3A_7] {strides = array<i32>} : memref<104xi32, #tpu.memory_space<vmem>>, vector<16xi32>,
    tpu.vector_store %arg14[%swap3A_7], %get3A_6 {strides = array<i32>} : memref<104xi32, #tpu.memory_space<vmem>>, vector<16xi32>,
    %get3A_9 = arith.constant 32 : index
    %get3A_10 = tpu.vector_load %arg7[%get3A_9] {strides = array<i32>} : memref<6400xi32, #tpu.memory_space<vmem>>, vector<16xi32>,
    %swap3A_11 = arith.constant 32 : index
    %swap3A_12 = tpu.vector_load %arg14[%swap3A_11] {strides = array<i32>} : memref<104xi32, #tpu.memory_space<vmem>>, vector<16xi32>,
    tpu.vector_store %arg14[%swap3A_11], %get3A_10 {strides = array<i32>} : memref<104xi32, #tpu.memory_space<vmem>>, vector<16xi32>,
    %get3A_13 = arith.constant 48 : index
    %get3A_14 = tpu.vector_load %arg7[%get3A_13] {strides = array<i32>} : memref<6400xi32, #tpu.memory_space<vmem>>, vector<16xi32>,
    %swap3A_15 = arith.constant 48 : index
    %swap3A_16 = tpu.vector_load %arg14[%swap3A_15] {strides = array<i32>} : memref<104xi32, #tpu.memory_space<vmem>>, vector<16xi32>,
    tpu.vector_store %arg14[%swap3A_15], %get3A_14 {strides = array<i32>} : memref<104xi32, #tpu.memory_space<vmem>>, vector<16xi32>,
    %get3A_17 = arith.constant 64 : index
    %get3A_18 = tpu.vector_load %arg7[%get3A_17] {strides = array<i32>} : memref<6400xi32, #tpu.memory_space<vmem>>, vector<16xi32>,
    %swap3A_19 = arith.constant 64 : index
    %swap3A_20 = tpu.vector_load %arg14[%swap3A_19] {strides = array<i32>} : memref<104xi32, #tpu.memory_space<vmem>>, vector<16xi32>,
    tpu.vector_store %arg14[%swap3A_19], %get3A_18 {strides = array<i32>} : memref<104xi32, #tpu.memory_space<vmem>>, vector<16xi32>,
    %get3A_21 = arith.constant 80 : index
    %get3A_22 = tpu.vector_load %arg7[%get3A_21] {strides = array<i32>} : memref<6400xi32, #tpu.memory_space<vmem>>, vector<16xi32>,
    %swap3A_23 = arith.constant 80 : index
    %swap3A_24 = tpu.vector_load %arg14[%swap3A_23] {strides = array<i32>} : memref<104xi32, #tpu.memory_space<vmem>>, vector<16xi32>,
    tpu.vector_store %arg14[%swap3A_23], %get3A_22 {strides = array<i32>} : memref<104xi32, #tpu.memory_space<vmem>>, vector<16xi32>,
    %get3A_25 = arith.constant 88 : index
    %get3A_26 = tpu.vector_load %arg7[%get3A_25] {strides = array<i32>} : memref<6400xi32, #tpu.memory_space<vmem>>, vector<16xi32>,
    %swap3A_27 = arith.constant 88 : index
    %swap3A_28 = tpu.vector_load %arg14[%swap3A_27] {strides = array<i32>} : memref<104xi32, #tpu.memory_space<vmem>>, vector<16xi32>,
    tpu.vector_store %arg14[%swap3A_27], %get3A_26 {strides = array<i32>} : memref<104xi32, #tpu.memory_space<vmem>>, vector<16xi32>,
    %get3A_29 = arith.constant 104 : index
    %get3A_30 = tpu.vector_load %arg7[%get3A_29] {strides = array<i32>} : memref<6400xi32, #tpu.memory_space<vmem>>, vector<16xi32>,
    %swap3A_31 = arith.constant 0 : index
    %swap3A_32 = tpu.vector_load %arg15[%swap3A_31] {strides = array<i32>} : memref<96xi32, #tpu.memory_space<vmem>>, vector<16xi32>,
    tpu.vector_store %arg15[%swap3A_31], %get3A_30 {strides = array<i32>} : memref<96xi32, #tpu.memory_space<vmem>>, vector<16xi32>,
    %get3A_33 = arith.constant 120 : index
    %get3A_34 = tpu.vector_load %arg7[%get3A_33] {strides = array<i32>} : memref<6400xi32, #tpu.memory_space<vmem>>, vector<16xi32>,
    %swap3A_35 = arith.constant 16 : index
    %swap3A_36 = tpu.vector_load %arg15[%swap3A_35] {strides = array<i32>} : memref<96xi32, #tpu.memory_space<vmem>>, vector<16xi32>,
    tpu.vector_store %arg15[%swap3A_35], %get3A_34 {strides = array<i32>} : memref<96xi32, #tpu.memory_space<vmem>>, vector<16xi32>,
    %get3A_37 = arith.constant 136 : index
    %get3A_38 = tpu.vector_load %arg7[%get3A_37] {strides = array<i32>} : memref<6400xi32, #tpu.memory_space<vmem>>, vector<16xi32>,
    %swap3A_39 = arith.constant 32 : index
    %swap3A_40 = tpu.vector_load %arg15[%swap3A_39] {strides = array<i32>} : memref<96xi32, #tpu.memory_space<vmem>>, vector<16xi32>,
    tpu.vector_store %arg15[%swap3A_39], %get3A_38 {strides = array<i32>} : memref<96xi32, #tpu.memory_space<vmem>>, vector<16xi32>,
    %get3A_41 = arith.constant 152 : index
    %get3A_42 = tpu.vector_load %arg7[%get3A_41] {strides = array<i32>} : memref<6400xi32, #tpu.memory_space<vmem>>, vector<16xi32>,
    %swap3A_43 = arith.constant 48 : index
    %swap3A_44 = tpu.vector_load %arg15[%swap3A_43] {strides = array<i32>} : memref<96xi32, #tpu.memory_space<vmem>>, vector<16xi32>,
    tpu.vector_store %arg15[%swap3A_43], %get3A_42 {strides = array<i32>} : memref<96xi32, #tpu.memory_space<vmem>>, vector<16xi32>,
    %get3A_45 = arith.constant 168 : index
    %get3A_46 = tpu.vector_load %arg7[%get3A_45] {strides = array<i32>} : memref<6400xi32, #tpu.memory_space<vmem>>, vector<16xi32>,
    %swap3A_47 = arith.constant 64 : index
    %swap3A_48 = tpu.vector_load %arg15[%swap3A_47] {strides = array<i32>} : memref<96xi32, #tpu.memory_space<vmem>>, vector<16xi32>,
    tpu.vector_store %arg15[%swap3A_47], %get3A_46 {strides = array<i32>} : memref<96xi32, #tpu.memory_space<vmem>>, vector<16xi32>,
    %get3A_49 = arith.constant 184 : index
    %get3A_50 = tpu.vector_load %arg7[%get3A_49] {strides = array<i32>} : memref<6400xi32, #tpu.memory_space<vmem>>, vector<16xi32>,
    %swap3A_51 = arith.constant 80 : index
    %swap3A_52 = tpu.vector_load %arg15[%swap3A_51] {strides = array<i32>} : memref<96xi32, #tpu.memory_space<vmem>>, vector<16xi32>,
    tpu.vector_store %arg15[%swap3A_51], %get3A_50 {strides = array<i32>} : memref<96xi32, #tpu.memory_space<vmem>>, vector<16xi32>,
    %dma_start3A = arith.constant 0 : i32
    %dma_start3A_53 = arith.constant 0 : i32
    %dma_start3A_54 = tpu.memref_slice %arg9[%dma_start3A, %dma_start3A_53] : memref<200x128xf32, #tpu.memory_space<vmem>> -> memref<104x128xf32, #tpu.memory_space<vmem>>
    %dma_start3A_55 = arith.constant 0 : i32
    %dma_start3A_56 = arith.constant 0 : i32
    %dma_start3A_57 = tpu.memref_slice %arg4[%dma_start3A_55, %dma_start3A_56] : memref<62592x128xf32, #tpu.memory_space<hbm>> -> memref<62592x128xf32, #tpu.memory_space<hbm>>
    tpu.enqueue_indirect_dma source(%dma_start3A_57 : memref<62592x128xf32, #tpu.memory_space<hbm>>) target(%dma_start3A_54 : memref<104x128xf32, #tpu.memory_space<vmem>>) offsets(%arg14 : memref<104xi32, #tpu.memory_space<vmem>>) semaphore(%arg18 : memref<!tpu.dma_semaphore, #tpu.memory_space<semaphore_mem>>)
    %dma_start3A_58 = arith.constant 104 : i32
    %dma_start3A_59 = arith.constant 0 : i32
    %dma_start3A_60 = tpu.memref_slice %arg9[%dma_start3A_58, %dma_start3A_59] : memref<200x128xf32, #tpu.memory_space<vmem>> -> memref<96x128xf32, #tpu.memory_space<vmem>>
    %dma_start3A_61 = arith.constant 0 : i32
    %dma_start3A_62 = arith.constant 0 : i32
    %dma_start3A_63 = tpu.memref_slice %arg4[%dma_start3A_61, %dma_start3A_62] : memref<62592x128xf32, #tpu.memory_space<hbm>> -> memref<62592x128xf32, #tpu.memory_space<hbm>>
    tpu.enqueue_indirect_dma source(%dma_start3A_63 : memref<62592x128xf32, #tpu.memory_space<hbm>>) target(%dma_start3A_60 : memref<96x128xf32, #tpu.memory_space<vmem>>) offsets(%arg15 : memref<96xi32, #tpu.memory_space<vmem>>) semaphore(%arg18 : memref<!tpu.dma_semaphore, #tpu.memory_space<semaphore_mem>>)
    %get3A_64 = arith.constant 200 : index
    %get3A_65 = tpu.vector_load %arg7[%get3A_64] {strides = array<i32>} : memref<6400xi32, #tpu.memory_space<vmem>>, vector<16xi32>,
    %swap3A_66 = arith.constant 0 : index
    %swap3A_67 = tpu.vector_load %arg16[%swap3A_66] {strides = array<i32>} : memref<104xi32, #tpu.memory_space<vmem>>, vector<16xi32>,
    tpu.vector_store %arg16[%swap3A_66], %get3A_65 {strides = array<i32>} : memref<104xi32, #tpu.memory_space<vmem>>, vector<16xi32>,
    %get3A_68 = arith.constant 216 : index
    %get3A_69 = tpu.vector_load %arg7[%get3A_68] {strides = array<i32>} : memref<6400xi32, #tpu.memory_space<vmem>>, vector<16xi32>,
    %swap3A_70 = arith.constant 16 : index
    %swap3A_71 = tpu.vector_load %arg16[%swap3A_70] {strides = array<i32>} : memref<104xi32, #tpu.memory_space<vmem>>, vector<16xi32>,
    tpu.vector_store %arg16[%swap3A_70], %get3A_69 {strides = array<i32>} : memref<104xi32, #tpu.memory_space<vmem>>, vector<16xi32>,
    %get3A_72 = arith.constant 232 : index
    %get3A_73 = tpu.vector_load %arg7[%get3A_72] {strides = array<i32>} : memref<6400xi32, #tpu.memory_space<vmem>>, vector<16xi32>,
    %swap3A_74 = arith.constant 32 : index
    %swap3A_75 = tpu.vector_load %arg16[%swap3A_74] {strides = array<i32>} : memref<104xi32, #tpu.memory_space<vmem>>, vector<16xi32>,
    tpu.vector_store %arg16[%swap3A_74], %get3A_73 {strides = array<i32>} : memref<104xi32, #tpu.memory_space<vmem>>, vector<16xi32>,
    %get3A_76 = arith.constant 248 : index
    %get3A_77 = tpu.vector_load %arg7[%get3A_76] {strides = array<i32>} : memref<6400xi32, #tpu.memory_space<vmem>>, vector<16xi32>,
    %swap3A_78 = arith.constant 48 : index
    %swap3A_79 = tpu.vector_load %arg16[%swap3A_78] {strides = array<i32>} : memref<104xi32, #tpu.memory_space<vmem>>, vector<16xi32>,
    tpu.vector_store %arg16[%swap3A_78], %get3A_77 {strides = array<i32>} : memref<104xi32, #tpu.memory_space<vmem>>, vector<16xi32>,
    %get3A_80 = arith.constant 264 : index
    %get3A_81 = tpu.vector_load %arg7[%get3A_80] {strides = array<i32>} : memref<6400xi32, #tpu.memory_space<vmem>>, vector<16xi32>,
    %swap3A_82 = arith.constant 64 : index
    %swap3A_83 = tpu.vector_load %arg16[%swap3A_82] {strides = array<i32>} : memref<104xi32, #tpu.memory_space<vmem>>, vector<16xi32>,
    tpu.vector_store %arg16[%swap3A_82], %get3A_81 {strides = array<i32>} : memref<104xi32, #tpu.memory_space<vmem>>, vector<16xi32>,
    %get3A_84 = arith.constant 280 : index
    %get3A_85 = tpu.vector_load %arg7[%get3A_84] {strides = array<i32>} : memref<6400xi32, #tpu.memory_space<vmem>>, vector<16xi32>,
    %swap3A_86 = arith.constant 80 : index
    %swap3A_87 = tpu.vector_load %arg16[%swap3A_86] {strides = array<i32>} : memref<104xi32, #tpu.memory_space<vmem>>, vector<16xi32>,
    tpu.vector_store %arg16[%swap3A_86], %get3A_85 {strides = array<i32>} : memref<104xi32, #tpu.memory_space<vmem>>, vector<16xi32>,
    %get3A_88 = arith.constant 288 : index
    %get3A_89 = tpu.vector_load %arg7[%get3A_88] {strides = array<i32>} : memref<6400xi32, #tpu.memory_space<vmem>>, vector<16xi32>,
    %swap3A_90 = arith.constant 88 : index
    %swap3A_91 = tpu.vector_load %arg16[%swap3A_90] {strides = array<i32>} : memref<104xi32, #tpu.memory_space<vmem>>, vector<16xi32>,
    tpu.vector_store %arg16[%swap3A_90], %get3A_89 {strides = array<i32>} : memref<104xi32, #tpu.memory_space<vmem>>, vector<16xi32>,
    %get3A_92 = arith.constant 304 : index
    %get3A_93 = tpu.vector_load %arg7[%get3A_92] {strides = array<i32>} : memref<6400xi32, #tpu.memory_space<vmem>>, vector<16xi32>,
    %swap3A_94 = arith.constant 0 : index
    %swap3A_95 = tpu.vector_load %arg17[%swap3A_94] {strides = array<i32>} : memref<96xi32, #tpu.memory_space<vmem>>, vector<16xi32>,
    tpu.vector_store %arg17[%swap3A_94], %get3A_93 {strides = array<i32>} : memref<96xi32, #tpu.memory_space<vmem>>, vector<16xi32>,
    %get3A_96 = arith.constant 320 : index
    %get3A_97 = tpu.vector_load %arg7[%get3A_96] {strides = array<i32>} : memref<6400xi32, #tpu.memory_space<vmem>>, vector<16xi32>,
    %swap3A_98 = arith.constant 16 : index
    %swap3A_99 = tpu.vector_load %arg17[%swap3A_98] {strides = array<i32>} : memref<96xi32, #tpu.memory_space<vmem>>, vector<16xi32>,
    tpu.vector_store %arg17[%swap3A_98], %get3A_97 {strides = array<i32>} : memref<96xi32, #tpu.memory_space<vmem>>, vector<16xi32>,
    %get3A_100 = arith.constant 336 : index
    %get3A_101 = tpu.vector_load %arg7[%get3A_100] {strides = array<i32>} : memref<6400xi32, #tpu.memory_space<vmem>>, vector<16xi32>,
    %swap3A_102 = arith.constant 32 : index
    %swap3A_103 = tpu.vector_load %arg17[%swap3A_102] {strides = array<i32>} : memref<96xi32, #tpu.memory_space<vmem>>, vector<16xi32>,
    tpu.vector_store %arg17[%swap3A_102], %get3A_101 {strides = array<i32>} : memref<96xi32, #tpu.memory_space<vmem>>, vector<16xi32>,
    %get3A_104 = arith.constant 352 : index
    %get3A_105 = tpu.vector_load %arg7[%get3A_104] {strides = array<i32>} : memref<6400xi32, #tpu.memory_space<vmem>>, vector<16xi32>,
    %swap3A_106 = arith.constant 48 : index
    %swap3A_107 = tpu.vector_load %arg17[%swap3A_106] {strides = array<i32>} : memref<96xi32, #tpu.memory_space<vmem>>, vector<16xi32>,
    tpu.vector_store %arg17[%swap3A_106], %get3A_105 {strides = array<i32>} : memref<96xi32, #tpu.memory_space<vmem>>, vector<16xi32>,
    %get3A_108 = arith.constant 368 : index
    %get3A_109 = tpu.vector_load %arg7[%get3A_108] {strides = array<i32>} : memref<6400xi32, #tpu.memory_space<vmem>>, vector<16xi32>,
    %swap3A_110 = arith.constant 64 : index
    %swap3A_111 = tpu.vector_load %arg17[%swap3A_110] {strides = array<i32>} : memref<96xi32, #tpu.memory_space<vmem>>, vector<16xi32>,
    tpu.vector_store %arg17[%swap3A_110], %get3A_109 {strides = array<i32>} : memref<96xi32, #tpu.memory_space<vmem>>, vector<16xi32>,
    %get3A_112 = arith.constant 384 : index
    %get3A_113 = tpu.vector_load %arg7[%get3A_112] {strides = array<i32>} : memref<6400xi32, #tpu.memory_space<vmem>>, vector<16xi32>,
    %swap3A_114 = arith.constant 80 : index
    %swap3A_115 = tpu.vector_load %arg17[%swap3A_114] {strides = array<i32>} : memref<96xi32, #tpu.memory_space<vmem>>, vector<16xi32>,
    tpu.vector_store %arg17[%swap3A_114], %get3A_113 {strides = array<i32>} : memref<96xi32, #tpu.memory_space<vmem>>, vector<16xi32>,
    %dma_start3A_116 = arith.constant 0 : i32
    %dma_start3A_117 = arith.constant 0 : i32
    %dma_start3A_118 = tpu.memref_slice %arg10[%dma_start3A_116, %dma_start3A_117] : memref<200x128xf32, #tpu.memory_space<vmem>> -> memref<104x128xf32, #tpu.memory_space<vmem>>
    %dma_start3A_119 = arith.constant 0 : i32
    %dma_start3A_120 = arith.constant 0 : i32
    %dma_start3A_121 = tpu.memref_slice %arg4[%dma_start3A_119, %dma_start3A_120] : memref<62592x128xf32, #tpu.memory_space<hbm>> -> memref<62592x128xf32, #tpu.memory_space<hbm>>
    tpu.enqueue_indirect_dma source(%dma_start3A_121 : memref<62592x128xf32, #tpu.memory_space<hbm>>) target(%dma_start3A_118 : memref<104x128xf32, #tpu.memory_space<vmem>>) offsets(%arg16 : memref<104xi32, #tpu.memory_space<vmem>>) semaphore(%arg19 : memref<!tpu.dma_semaphore, #tpu.memory_space<semaphore_mem>>)
    %dma_start3A_122 = arith.constant 104 : i32
    %dma_start3A_123 = arith.constant 0 : i32
    %dma_start3A_124 = tpu.memref_slice %arg10[%dma_start3A_122, %dma_start3A_123] : memref<200x128xf32, #tpu.memory_space<vmem>> -> memref<96x128xf32, #tpu.memory_space<vmem>>
    %dma_start3A_125 = arith.constant 0 : i32
    %dma_start3A_126 = arith.constant 0 : i32
    %dma_start3A_127 = tpu.memref_slice %arg4[%dma_start3A_125, %dma_start3A_126] : memref<62592x128xf32, #tpu.memory_space<hbm>> -> memref<62592x128xf32, #tpu.memory_space<hbm>>
    tpu.enqueue_indirect_dma source(%dma_start3A_127 : memref<62592x128xf32, #tpu.memory_space<hbm>>) target(%dma_start3A_124 : memref<96x128xf32, #tpu.memory_space<vmem>>) offsets(%arg17 : memref<96xi32, #tpu.memory_space<vmem>>) semaphore(%arg19 : memref<!tpu.dma_semaphore, #tpu.memory_space<semaphore_mem>>)
    %iota3A = tpu.iota {dimensions = array<i32: 0>} : vector<16xi32>
    %jit3A = arith.constant 8 : i32
    %div3A = vector.broadcast %jit3A : i32 to vector<16xi32>
    %div3A_128 = arith.divsi %iota3A, %div3A : vector<16xi32>
    %sign3A = arith.constant 0 : i32
    %sign3A_129 = vector.broadcast %sign3A : i32 to vector<16xi32>
    %sign3A_130 = arith.cmpi sgt, %iota3A, %sign3A_129 : vector<16xi32>
    %sign3A_131 = arith.extui %sign3A_130 : vector<16xi1> to vector<16xi32>
    %sign3A_132 = arith.constant 0 : i32
    %sign3A_133 = vector.broadcast %sign3A_132 : i32 to vector<16xi32>
    %sign3A_134 = arith.cmpi slt, %iota3A, %sign3A_133 : vector<16xi32>
    %sign3A_135 = arith.extui %sign3A_134 : vector<16xi1> to vector<16xi32>
    %sign3A_136 = arith.subi %sign3A_131, %sign3A_135 : vector<16xi32>
    %sign3A_137 = arith.constant 0 : i32
    %sign3A_138 = arith.cmpi sgt, %jit3A, %sign3A_137 : i32
    %sign3A_139 = arith.extui %sign3A_138 : i1 to i32
    %sign3A_140 = arith.constant 0 : i32
    %sign3A_141 = arith.cmpi slt, %jit3A, %sign3A_140 : i32
    %sign3A_142 = arith.extui %sign3A_141 : i1 to i32
    %sign3A_143 = arith.subi %sign3A_139, %sign3A_142 : i32
    %ne3A = vector.broadcast %sign3A_143 : i32 to vector<16xi32>
    %ne3A_144 = arith.cmpi ne, %sign3A_136, %ne3A : vector<16xi32>
    %rem3A = vector.broadcast %jit3A : i32 to vector<16xi32>
    %rem3A_145 = arith.remsi %iota3A, %rem3A : vector<16xi32>
    %ne3A_146 = arith.constant 0 : i32
    %ne3A_147 = vector.broadcast %ne3A_146 : i32 to vector<16xi32>
    %ne3A_148 = arith.cmpi ne, %rem3A_145, %ne3A_147 : vector<16xi32>
    %and3A = arith.andi %ne3A_144, %ne3A_148 : vector<16xi1>
    %sub3A = arith.constant 1 : i32
    %sub3A_149 = vector.broadcast %sub3A : i32 to vector<16xi32>
    %sub3A_150 = arith.subi %div3A_128, %sub3A_149 : vector<16xi32>
    %select_n3A = arith.select %and3A, %sub3A_150, %div3A_128 : vector<16xi1>, vector<16xi32>
    %jit3A_151 = arith.constant 8 : i32
    %eq3A = arith.constant 0 : i32
    %eq3A_152 = arith.cmpi eq, %jit3A_151, %eq3A : i32
    %jit3A_153 = arith.constant 1 : i32
    %select_n3A_154 = arith.select %eq3A_152, %jit3A_153, %jit3A_151 : i32
    %rem3A_155 = vector.broadcast %select_n3A_154 : i32 to vector<16xi32>
    %rem3A_156 = arith.remsi %iota3A, %rem3A_155 : vector<16xi32>
    %ne3A_157 = arith.constant 0 : i32
    %ne3A_158 = vector.broadcast %ne3A_157 : i32 to vector<16xi32>
    %ne3A_159 = arith.cmpi ne, %rem3A_156, %ne3A_158 : vector<16xi32>
    %lt3A = arith.constant 0 : i32
    %lt3A_160 = vector.broadcast %lt3A : i32 to vector<16xi32>
    %lt3A_161 = arith.cmpi slt, %rem3A_156, %lt3A_160 : vector<16xi32>
    %lt3A_162 = arith.constant 0 : i32
    %lt3A_163 = arith.cmpi slt, %select_n3A_154, %lt3A_162 : i32
    %ne3A_164 = vector.broadcast %lt3A_163 : i1 to vector<16xi1>
    %ne3A_165 = vector.broadcast %ne3A_164 : vector<16xi1> to vector<16xi1>
    %ne3A_166 = arith.xori %lt3A_161, %ne3A_165 : vector<16xi1>
    %and3A_167 = arith.andi %ne3A_166, %ne3A_159 : vector<16xi1>
    %add3A_168 = vector.broadcast %select_n3A_154 : i32 to vector<16xi32>
    %add3A_169 = arith.addi %rem3A_156, %add3A_168 : vector<16xi32>
    %select_n3A_170 = arith.select %and3A_167, %add3A_169, %rem3A_156 : vector<16xi1>, vector<16xi32>
    %jit3A_171 = arith.constant 4 : i32
    %div3A_172 = vector.broadcast %jit3A_171 : i32 to vector<16xi32>
    %div3A_173 = arith.divsi %iota3A, %div3A_172 : vector<16xi32>
    %sign3A_174 = arith.constant 0 : i32
    %sign3A_175 = vector.broadcast %sign3A_174 : i32 to vector<16xi32>
    %sign3A_176 = arith.cmpi sgt, %iota3A, %sign3A_175 : vector<16xi32>
    %sign3A_177 = arith.extui %sign3A_176 : vector<16xi1> to vector<16xi32>
    %sign3A_178 = arith.constant 0 : i32
    %sign3A_179 = vector.broadcast %sign3A_178 : i32 to vector<16xi32>
    %sign3A_180 = arith.cmpi slt, %iota3A, %sign3A_179 : vector<16xi32>
    %sign3A_181 = arith.extui %sign3A_180 : vector<16xi1> to vector<16xi32>
    %sign3A_182 = arith.subi %sign3A_177, %sign3A_181 : vector<16xi32>
    %sign3A_183 = arith.constant 0 : i32
    %sign3A_184 = arith.cmpi sgt, %jit3A_171, %sign3A_183 : i32
    %sign3A_185 = arith.extui %sign3A_184 : i1 to i32
    %sign3A_186 = arith.constant 0 : i32
    %sign3A_187 = arith.cmpi slt, %jit3A_171, %sign3A_186 : i32
    %sign3A_188 = arith.extui %sign3A_187 : i1 to i32
    %sign3A_189 = arith.subi %sign3A_185, %sign3A_188 : i32
    %ne3A_190 = vector.broadcast %sign3A_189 : i32 to vector<16xi32>
    %ne3A_191 = arith.cmpi ne, %sign3A_182, %ne3A_190 : vector<16xi32>
    %rem3A_192 = vector.broadcast %jit3A_171 : i32 to vector<16xi32>
    %rem3A_193 = arith.remsi %iota3A, %rem3A_192 : vector<16xi32>
    %ne3A_194 = arith.constant 0 : i32
    %ne3A_195 = vector.broadcast %ne3A_194 : i32 to vector<16xi32>
    %ne3A_196 = arith.cmpi ne, %rem3A_193, %ne3A_195 : vector<16xi32>
    %and3A_197 = arith.andi %ne3A_191, %ne3A_196 : vector<16xi1>
    %sub3A_198 = arith.constant 1 : i32
    %sub3A_199 = vector.broadcast %sub3A_198 : i32 to vector<16xi32>
    %sub3A_200 = arith.subi %div3A_173, %sub3A_199 : vector<16xi32>
    %select_n3A_201 = arith.select %and3A_197, %sub3A_200, %div3A_173 : vector<16xi1>, vector<16xi32>
    %mul3A_202 = arith.constant 16 : i32
    %mul3A_203 = vector.broadcast %mul3A_202 : i32 to vector<16xi32>
    %mul3A_204 = arith.muli %select_n3A_201, %mul3A_203 : vector<16xi32>
    %jit3A_205 = arith.constant 4 : i32
    %eq3A_206 = arith.constant 0 : i32
    %eq3A_207 = arith.cmpi eq, %jit3A_205, %eq3A_206 : i32
    %jit3A_208 = arith.constant 1 : i32
    %select_n3A_209 = arith.select %eq3A_207, %jit3A_208, %jit3A_205 : i32
    %rem3A_210 = vector.broadcast %select_n3A_209 : i32 to vector<16xi32>
    %rem3A_211 = arith.remsi %iota3A, %rem3A_210 : vector<16xi32>
    %ne3A_212 = arith.constant 0 : i32
    %ne3A_213 = vector.broadcast %ne3A_212 : i32 to vector<16xi32>
    %ne3A_214 = arith.cmpi ne, %rem3A_211, %ne3A_213 : vector<16xi32>
    %lt3A_215 = arith.constant 0 : i32
    %lt3A_216 = vector.broadcast %lt3A_215 : i32 to vector<16xi32>
    %lt3A_217 = arith.cmpi slt, %rem3A_211, %lt3A_216 : vector<16xi32>
    %lt3A_218 = arith.constant 0 : i32
    %lt3A_219 = arith.cmpi slt, %select_n3A_209, %lt3A_218 : i32
    %ne3A_220 = vector.broadcast %lt3A_219 : i1 to vector<16xi1>
    %ne3A_221 = vector.broadcast %ne3A_220 : vector<16xi1> to vector<16xi1>
    %ne3A_222 = arith.xori %lt3A_217, %ne3A_221 : vector<16xi1>
    %and3A_223 = arith.andi %ne3A_222, %ne3A_214 : vector<16xi1>
    %add3A_224 = vector.broadcast %select_n3A_209 : i32 to vector<16xi32>
    %add3A_225 = arith.addi %rem3A_211, %add3A_224 : vector<16xi32>
    %select_n3A_226 = arith.select %and3A_223, %add3A_225, %rem3A_211 : vector<16xi1>, vector<16xi32>
    %add3A_227 = arith.addi %mul3A_204, %select_n3A_226 : vector<16xi32>
    %scan3A = arith.constant 0 : i32
    %scan3A_228 = arith.constant 2.000000e-02 : f32
    %scan3A_229 = arith.constant 0 : i32
    %scan3A_230 = arith.constant 16 : i32
    %scan3A_231 = arith.addi %scan3A_229, %scan3A_230 : i32
    %scan3A_232 = arith.constant 1 : i32
    scf.for %scan3A_237 = %scan3A_229 to %scan3A_231 step %scan3A_232  : i32 {
      %mul3A_238 = arith.constant 2 : i32
      %mul3A_239 = arith.muli %mul3A_238, %scan3A_237 : i32
      %dma_wait3A = arith.constant 0 : i32
      %dma_wait3A_240 = arith.constant 0 : i32
      %dma_wait3A_241 = tpu.memref_slice %arg9[%dma_wait3A, %dma_wait3A_240] : memref<200x128xf32, #tpu.memory_space<vmem>> -> memref<104x128xf32, #tpu.memory_space<vmem>>
      %dma_wait3A_242 = arith.constant 0 : i32
      %dma_wait3A_243 = arith.constant 0 : i32
      %dma_wait3A_244 = tpu.memref_slice %arg4[%dma_wait3A_242, %dma_wait3A_243] : memref<62592x128xf32, #tpu.memory_space<hbm>> -> memref<62592x128xf32, #tpu.memory_space<hbm>>
      tpu.wait_indirect_dma semaphore(%arg18 : memref<!tpu.dma_semaphore, #tpu.memory_space<semaphore_mem>>) src(%dma_wait3A_244 : memref<62592x128xf32, #tpu.memory_space<hbm>>) dst(%dma_wait3A_241 : memref<104x128xf32, #tpu.memory_space<vmem>>)
      %dma_wait3A_245 = arith.constant 104 : i32
      %dma_wait3A_246 = arith.constant 0 : i32
      %dma_wait3A_247 = tpu.memref_slice %arg9[%dma_wait3A_245, %dma_wait3A_246] : memref<200x128xf32, #tpu.memory_space<vmem>> -> memref<96x128xf32, #tpu.memory_space<vmem>>
      %dma_wait3A_248 = arith.constant 0 : i32
      %dma_wait3A_249 = arith.constant 0 : i32
      %dma_wait3A_250 = tpu.memref_slice %arg4[%dma_wait3A_248, %dma_wait3A_249] : memref<62592x128xf32, #tpu.memory_space<hbm>> -> memref<62592x128xf32, #tpu.memory_space<hbm>>
      tpu.wait_indirect_dma semaphore(%arg18 : memref<!tpu.dma_semaphore, #tpu.memory_space<semaphore_mem>>) src(%dma_wait3A_250 : memref<62592x128xf32, #tpu.memory_space<hbm>>) dst(%dma_wait3A_247 : memref<96x128xf32, #tpu.memory_space<vmem>>)
      %mul3A_251 = arith.constant 200 : i32
      %mul3A_252 = arith.muli %mul3A_239, %mul3A_251 : i32
      %broadcast_in_dim3A = arith.constant 0.000000e+00 : f32
      %broadcast_in_dim3A_253 = vector.broadcast %broadcast_in_dim3A : f32 to vector<16xf32>
      %scan3A_254 = arith.constant 0 : i32
      %scan3A_255 = arith.constant 25 : i32
      %scan3A_256 = arith.addi %scan3A_254, %scan3A_255 : i32
      %scan3A_257 = arith.constant 1 : i32
      %scan3A_258 = scf.for %scan3A_391 = %scan3A_254 to %scan3A_256 step %scan3A_257 iter_args(%scan3A_392 = %broadcast_in_dim3A_253) -> (vector<16xf32>)  : i32 {
        %mul3A_393 = arith.constant 2 : i32
        %mul3A_394 = arith.muli %mul3A_393, %scan3A_391 : i32
        %add3A_395 = arith.constant 0 : i32
        %add3A_396 = arith.addi %add3A_395, %mul3A_394 : i32
        %add3A_397 = vector.broadcast %add3A_396 : i32 to vector<16xi32>
        %add3A_398 = arith.addi %add3A_397, %select_n3A : vector<16xi32>
        %add3A_399 = vector.broadcast %mul3A_252 : i32 to vector<16xi32>
        %add3A_400 = arith.addi %add3A_399, %add3A_398 : vector<16xi32>
        %gather3A_401 = tpu.vector_load_idx %arg8[%add3A_400] : memref<6400xi32, #tpu.memory_space<vmem>>[vector<16xi32>], vector<16xi32>,
        %add3A_402 = arith.addi %gather3A_401, %select_n3A_170 : vector<16xi32>
        %gather3A_403 = tpu.vector_load_idx %arg9[%add3A_398, %add3A_402] : memref<200x128xf32, #tpu.memory_space<vmem>>[vector<16xi32>, vector<16xi32>], vector<16xf32>,
        %add3A_404 = arith.addf %scan3A_392, %gather3A_403 : vector<16xf32>
        scf.yield %add3A_404 : vector<16xf32>
      }
      %scan3A_259 = arith.constant 25 : i32
      %swap3A_260 = arith.constant 0 : index
      %swap3A_261 = tpu.vector_load %arg13[%swap3A_260] {strides = array<i32>} : memref<64xf32, #tpu.memory_space<vmem>>, vector<16xf32>,
      tpu.vector_store %arg13[%swap3A_260], %scan3A_258 {strides = array<i32>} : memref<64xf32, #tpu.memory_space<vmem>>, vector<16xf32>,
      %broadcast_in_dim3A_262 = arith.constant 0.000000e+00 : f32
      %broadcast_in_dim3A_263 = vector.broadcast %broadcast_in_dim3A_262 : f32 to vector<16xf32>
      %scan3A_264 = arith.constant 0 : i32
      %scan3A_265 = arith.constant 25 : i32
      %scan3A_266 = arith.addi %scan3A_264, %scan3A_265 : i32
      %scan3A_267 = arith.constant 1 : i32
      %scan3A_268 = scf.for %scan3A_391 = %scan3A_264 to %scan3A_266 step %scan3A_267 iter_args(%scan3A_392 = %broadcast_in_dim3A_263) -> (vector<16xf32>)  : i32 {
        %mul3A_393 = arith.constant 2 : i32
        %mul3A_394 = arith.muli %mul3A_393, %scan3A_391 : i32
        %add3A_395 = arith.constant 50 : i32
        %add3A_396 = arith.addi %add3A_395, %mul3A_394 : i32
        %add3A_397 = vector.broadcast %add3A_396 : i32 to vector<16xi32>
        %add3A_398 = arith.addi %add3A_397, %select_n3A : vector<16xi32>
        %add3A_399 = vector.broadcast %mul3A_252 : i32 to vector<16xi32>
        %add3A_400 = arith.addi %add3A_399, %add3A_398 : vector<16xi32>
        %gather3A_401 = tpu.vector_load_idx %arg8[%add3A_400] : memref<6400xi32, #tpu.memory_space<vmem>>[vector<16xi32>], vector<16xi32>,
        %add3A_402 = arith.addi %gather3A_401, %select_n3A_170 : vector<16xi32>
        %gather3A_403 = tpu.vector_load_idx %arg9[%add3A_398, %add3A_402] : memref<200x128xf32, #tpu.memory_space<vmem>>[vector<16xi32>, vector<16xi32>], vector<16xf32>,
        %add3A_404 = arith.addf %scan3A_392, %gather3A_403 : vector<16xf32>
        scf.yield %add3A_404 : vector<16xf32>
      }
      %scan3A_269 = arith.constant 25 : i32
      %swap3A_270 = arith.constant 16 : index
      %swap3A_271 = tpu.vector_load %arg13[%swap3A_270] {strides = array<i32>} : memref<64xf32, #tpu.memory_space<vmem>>, vector<16xf32>,
      tpu.vector_store %arg13[%swap3A_270], %scan3A_268 {strides = array<i32>} : memref<64xf32, #tpu.memory_space<vmem>>, vector<16xf32>,
      %broadcast_in_dim3A_272 = arith.constant 0.000000e+00 : f32
      %broadcast_in_dim3A_273 = vector.broadcast %broadcast_in_dim3A_272 : f32 to vector<16xf32>
      %scan3A_274 = arith.constant 0 : i32
      %scan3A_275 = arith.constant 25 : i32
      %scan3A_276 = arith.addi %scan3A_274, %scan3A_275 : i32
      %scan3A_277 = arith.constant 1 : i32
      %scan3A_278 = scf.for %scan3A_391 = %scan3A_274 to %scan3A_276 step %scan3A_277 iter_args(%scan3A_392 = %broadcast_in_dim3A_273) -> (vector<16xf32>)  : i32 {
        %mul3A_393 = arith.constant 2 : i32
        %mul3A_394 = arith.muli %mul3A_393, %scan3A_391 : i32
        %add3A_395 = arith.constant 100 : i32
        %add3A_396 = arith.addi %add3A_395, %mul3A_394 : i32
        %add3A_397 = vector.broadcast %add3A_396 : i32 to vector<16xi32>
        %add3A_398 = arith.addi %add3A_397, %select_n3A : vector<16xi32>
        %add3A_399 = vector.broadcast %mul3A_252 : i32 to vector<16xi32>
        %add3A_400 = arith.addi %add3A_399, %add3A_398 : vector<16xi32>
        %gather3A_401 = tpu.vector_load_idx %arg8[%add3A_400] : memref<6400xi32, #tpu.memory_space<vmem>>[vector<16xi32>], vector<16xi32>,
        %add3A_402 = arith.addi %gather3A_401, %select_n3A_170 : vector<16xi32>
        %gather3A_403 = tpu.vector_load_idx %arg9[%add3A_398, %add3A_402] : memref<200x128xf32, #tpu.memory_space<vmem>>[vector<16xi32>, vector<16xi32>], vector<16xf32>,
        %add3A_404 = arith.addf %scan3A_392, %gather3A_403 : vector<16xf32>
        scf.yield %add3A_404 : vector<16xf32>
      }
      %scan3A_279 = arith.constant 25 : i32
      %swap3A_280 = arith.constant 32 : index
      %swap3A_281 = tpu.vector_load %arg13[%swap3A_280] {strides = array<i32>} : memref<64xf32, #tpu.memory_space<vmem>>, vector<16xf32>,
      tpu.vector_store %arg13[%swap3A_280], %scan3A_278 {strides = array<i32>} : memref<64xf32, #tpu.memory_space<vmem>>, vector<16xf32>,
      %broadcast_in_dim3A_282 = arith.constant 0.000000e+00 : f32
      %broadcast_in_dim3A_283 = vector.broadcast %broadcast_in_dim3A_282 : f32 to vector<16xf32>
      %scan3A_284 = arith.constant 0 : i32
      %scan3A_285 = arith.constant 25 : i32
      %scan3A_286 = arith.addi %scan3A_284, %scan3A_285 : i32
      %scan3A_287 = arith.constant 1 : i32
      %scan3A_288 = scf.for %scan3A_391 = %scan3A_284 to %scan3A_286 step %scan3A_287 iter_args(%scan3A_392 = %broadcast_in_dim3A_283) -> (vector<16xf32>)  : i32 {
        %mul3A_393 = arith.constant 2 : i32
        %mul3A_394 = arith.muli %mul3A_393, %scan3A_391 : i32
        %add3A_395 = arith.constant 150 : i32
        %add3A_396 = arith.addi %add3A_395, %mul3A_394 : i32
        %add3A_397 = vector.broadcast %add3A_396 : i32 to vector<16xi32>
        %add3A_398 = arith.addi %add3A_397, %select_n3A : vector<16xi32>
        %add3A_399 = vector.broadcast %mul3A_252 : i32 to vector<16xi32>
        %add3A_400 = arith.addi %add3A_399, %add3A_398 : vector<16xi32>
        %gather3A_401 = tpu.vector_load_idx %arg8[%add3A_400] : memref<6400xi32, #tpu.memory_space<vmem>>[vector<16xi32>], vector<16xi32>,
        %add3A_402 = arith.addi %gather3A_401, %select_n3A_170 : vector<16xi32>
        %gather3A_403 = tpu.vector_load_idx %arg9[%add3A_398, %add3A_402] : memref<200x128xf32, #tpu.memory_space<vmem>>[vector<16xi32>, vector<16xi32>], vector<16xf32>,
        %add3A_404 = arith.addf %scan3A_392, %gather3A_403 : vector<16xf32>
        scf.yield %add3A_404 : vector<16xf32>
      }
      %scan3A_289 = arith.constant 25 : i32
      %swap3A_290 = arith.constant 48 : index
      %swap3A_291 = tpu.vector_load %arg13[%swap3A_290] {strides = array<i32>} : memref<64xf32, #tpu.memory_space<vmem>>, vector<16xf32>,
      tpu.vector_store %arg13[%swap3A_290], %scan3A_288 {strides = array<i32>} : memref<64xf32, #tpu.memory_space<vmem>>, vector<16xf32>,
      %add3A_292 = arith.constant 2 : i32
      %add3A_293 = arith.addi %mul3A_239, %add3A_292 : i32
      %lt3A_294 = arith.constant 32 : i32
      %lt3A_295 = arith.cmpi slt, %add3A_293, %lt3A_294 : i32
      %convert_element_type3A = arith.extui %lt3A_295 : i1 to i32
      %cond3A = arith.constant 0 : i32
      %cond3A_296 = arith.cmpi ne, %convert_element_type3A, %cond3A : i32
      scf.if %cond3A_296 {
        %add3A_391 = arith.constant 2 : i32
        %add3A_392 = arith.addi %mul3A_239, %add3A_391 : i32
        %mul3A_393 = arith.constant 200 : i32
        %mul3A_394 = arith.muli %add3A_392, %mul3A_393 : i32
        %add3A_395 = arith.constant 0 : i32
        %add3A_396 = arith.addi %mul3A_394, %add3A_395 : i32
        %get3A_397 = arith.index_cast %add3A_396 : i32 to index
        %get3A_398 = tpu.vector_load %arg7[%get3A_397] {strides = array<i32>} : memref<6400xi32, #tpu.memory_space<vmem>>, vector<16xi32>,
        %swap3A_399 = arith.constant 0 : index
        %swap3A_400 = tpu.vector_load %arg14[%swap3A_399] {strides = array<i32>} : memref<104xi32, #tpu.memory_space<vmem>>, vector<16xi32>,
        tpu.vector_store %arg14[%swap3A_399], %get3A_398 {strides = array<i32>} : memref<104xi32, #tpu.memory_space<vmem>>, vector<16xi32>,
        %add3A_401 = arith.constant 16 : i32
        %add3A_402 = arith.addi %mul3A_394, %add3A_401 : i32
        %get3A_403 = arith.index_cast %add3A_402 : i32 to index
        %get3A_404 = tpu.vector_load %arg7[%get3A_403] {strides = array<i32>} : memref<6400xi32, #tpu.memory_space<vmem>>, vector<16xi32>,
        %swap3A_405 = arith.constant 16 : index
        %swap3A_406 = tpu.vector_load %arg14[%swap3A_405] {strides = array<i32>} : memref<104xi32, #tpu.memory_space<vmem>>, vector<16xi32>,
        tpu.vector_store %arg14[%swap3A_405], %get3A_404 {strides = array<i32>} : memref<104xi32, #tpu.memory_space<vmem>>, vector<16xi32>,
        %add3A_407 = arith.constant 32 : i32
        %add3A_408 = arith.addi %mul3A_394, %add3A_407 : i32
        %get3A_409 = arith.index_cast %add3A_408 : i32 to index
        %get3A_410 = tpu.vector_load %arg7[%get3A_409] {strides = array<i32>} : memref<6400xi32, #tpu.memory_space<vmem>>, vector<16xi32>,
        %swap3A_411 = arith.constant 32 : index
        %swap3A_412 = tpu.vector_load %arg14[%swap3A_411] {strides = array<i32>} : memref<104xi32, #tpu.memory_space<vmem>>, vector<16xi32>,
        tpu.vector_store %arg14[%swap3A_411], %get3A_410 {strides = array<i32>} : memref<104xi32, #tpu.memory_space<vmem>>, vector<16xi32>,
        %add3A_413 = arith.constant 48 : i32
        %add3A_414 = arith.addi %mul3A_394, %add3A_413 : i32
        %get3A_415 = arith.index_cast %add3A_414 : i32 to index
        %get3A_416 = tpu.vector_load %arg7[%get3A_415] {strides = array<i32>} : memref<6400xi32, #tpu.memory_space<vmem>>, vector<16xi32>,
        %swap3A_417 = arith.constant 48 : index
        %swap3A_418 = tpu.vector_load %arg14[%swap3A_417] {strides = array<i32>} : memref<104xi32, #tpu.memory_space<vmem>>, vector<16xi32>,
        tpu.vector_store %arg14[%swap3A_417], %get3A_416 {strides = array<i32>} : memref<104xi32, #tpu.memory_space<vmem>>, vector<16xi32>,
        %add3A_419 = arith.constant 64 : i32
        %add3A_420 = arith.addi %mul3A_394, %add3A_419 : i32
        %get3A_421 = arith.index_cast %add3A_420 : i32 to index
        %get3A_422 = tpu.vector_load %arg7[%get3A_421] {strides = array<i32>} : memref<6400xi32, #tpu.memory_space<vmem>>, vector<16xi32>,
        %swap3A_423 = arith.constant 64 : index
        %swap3A_424 = tpu.vector_load %arg14[%swap3A_423] {strides = array<i32>} : memref<104xi32, #tpu.memory_space<vmem>>, vector<16xi32>,
        tpu.vector_store %arg14[%swap3A_423], %get3A_422 {strides = array<i32>} : memref<104xi32, #tpu.memory_space<vmem>>, vector<16xi32>,
        %add3A_425 = arith.constant 80 : i32
        %add3A_426 = arith.addi %mul3A_394, %add3A_425 : i32
        %get3A_427 = arith.index_cast %add3A_426 : i32 to index
        %get3A_428 = tpu.vector_load %arg7[%get3A_427] {strides = array<i32>} : memref<6400xi32, #tpu.memory_space<vmem>>, vector<16xi32>,
        %swap3A_429 = arith.constant 80 : index
        %swap3A_430 = tpu.vector_load %arg14[%swap3A_429] {strides = array<i32>} : memref<104xi32, #tpu.memory_space<vmem>>, vector<16xi32>,
        tpu.vector_store %arg14[%swap3A_429], %get3A_428 {strides = array<i32>} : memref<104xi32, #tpu.memory_space<vmem>>, vector<16xi32>,
        %add3A_431 = arith.constant 104 : i32
        %add3A_432 = arith.addi %mul3A_394, %add3A_431 : i32
        %sub3A_433 = arith.constant 16 : i32
        %sub3A_434 = arith.subi %add3A_432, %sub3A_433 : i32
        %get3A_435 = arith.index_cast %sub3A_434 : i32 to index
        %get3A_436 = tpu.vector_load %arg7[%get3A_435] {strides = array<i32>} : memref<6400xi32, #tpu.memory_space<vmem>>, vector<16xi32>,
        %swap3A_437 = arith.constant 88 : index
        %swap3A_438 = tpu.vector_load %arg14[%swap3A_437] {strides = array<i32>} : memref<104xi32, #tpu.memory_space<vmem>>, vector<16xi32>,
        tpu.vector_store %arg14[%swap3A_437], %get3A_436 {strides = array<i32>} : memref<104xi32, #tpu.memory_space<vmem>>, vector<16xi32>,
        %add3A_439 = arith.constant 104 : i32
        %add3A_440 = arith.addi %mul3A_394, %add3A_439 : i32
        %add3A_441 = arith.constant 0 : i32
        %add3A_442 = arith.addi %add3A_440, %add3A_441 : i32
        %get3A_443 = arith.index_cast %add3A_442 : i32 to index
        %get3A_444 = tpu.vector_load %arg7[%get3A_443] {strides = array<i32>} : memref<6400xi32, #tpu.memory_space<vmem>>, vector<16xi32>,
        %swap3A_445 = arith.constant 0 : index
        %swap3A_446 = tpu.vector_load %arg15[%swap3A_445] {strides = array<i32>} : memref<96xi32, #tpu.memory_space<vmem>>, vector<16xi32>,
        tpu.vector_store %arg15[%swap3A_445], %get3A_444 {strides = array<i32>} : memref<96xi32, #tpu.memory_space<vmem>>, vector<16xi32>,
        %add3A_447 = arith.constant 104 : i32
        %add3A_448 = arith.addi %mul3A_394, %add3A_447 : i32
        %add3A_449 = arith.constant 16 : i32
        %add3A_450 = arith.addi %add3A_448, %add3A_449 : i32
        %get3A_451 = arith.index_cast %add3A_450 : i32 to index
        %get3A_452 = tpu.vector_load %arg7[%get3A_451] {strides = array<i32>} : memref<6400xi32, #tpu.memory_space<vmem>>, vector<16xi32>,
        %swap3A_453 = arith.constant 16 : index
        %swap3A_454 = tpu.vector_load %arg15[%swap3A_453] {strides = array<i32>} : memref<96xi32, #tpu.memory_space<vmem>>, vector<16xi32>,
        tpu.vector_store %arg15[%swap3A_453], %get3A_452 {strides = array<i32>} : memref<96xi32, #tpu.memory_space<vmem>>, vector<16xi32>,
        %add3A_455 = arith.constant 104 : i32
        %add3A_456 = arith.addi %mul3A_394, %add3A_455 : i32
        %add3A_457 = arith.constant 32 : i32
        %add3A_458 = arith.addi %add3A_456, %add3A_457 : i32
        %get3A_459 = arith.index_cast %add3A_458 : i32 to index
        %get3A_460 = tpu.vector_load %arg7[%get3A_459] {strides = array<i32>} : memref<6400xi32, #tpu.memory_space<vmem>>, vector<16xi32>,
        %swap3A_461 = arith.constant 32 : index
        %swap3A_462 = tpu.vector_load %arg15[%swap3A_461] {strides = array<i32>} : memref<96xi32, #tpu.memory_space<vmem>>, vector<16xi32>,
        tpu.vector_store %arg15[%swap3A_461], %get3A_460 {strides = array<i32>} : memref<96xi32, #tpu.memory_space<vmem>>, vector<16xi32>,
        %add3A_463 = arith.constant 104 : i32
        %add3A_464 = arith.addi %mul3A_394, %add3A_463 : i32
        %add3A_465 = arith.constant 48 : i32
        %add3A_466 = arith.addi %add3A_464, %add3A_465 : i32
        %get3A_467 = arith.index_cast %add3A_466 : i32 to index
        %get3A_468 = tpu.vector_load %arg7[%get3A_467] {strides = array<i32>} : memref<6400xi32, #tpu.memory_space<vmem>>, vector<16xi32>,
        %swap3A_469 = arith.constant 48 : index
        %swap3A_470 = tpu.vector_load %arg15[%swap3A_469] {strides = array<i32>} : memref<96xi32, #tpu.memory_space<vmem>>, vector<16xi32>,
        tpu.vector_store %arg15[%swap3A_469], %get3A_468 {strides = array<i32>} : memref<96xi32, #tpu.memory_space<vmem>>, vector<16xi32>,
        %add3A_471 = arith.constant 104 : i32
        %add3A_472 = arith.addi %mul3A_394, %add3A_471 : i32
        %add3A_473 = arith.constant 64 : i32
        %add3A_474 = arith.addi %add3A_472, %add3A_473 : i32
        %get3A_475 = arith.index_cast %add3A_474 : i32 to index
        %get3A_476 = tpu.vector_load %arg7[%get3A_475] {strides = array<i32>} : memref<6400xi32, #tpu.memory_space<vmem>>, vector<16xi32>,
        %swap3A_477 = arith.constant 64 : index
        %swap3A_478 = tpu.vector_load %arg15[%swap3A_477] {strides = array<i32>} : memref<96xi32, #tpu.memory_space<vmem>>, vector<16xi32>,
        tpu.vector_store %arg15[%swap3A_477], %get3A_476 {strides = array<i32>} : memref<96xi32, #tpu.memory_space<vmem>>, vector<16xi32>,
        %add3A_479 = arith.constant 104 : i32
        %add3A_480 = arith.addi %mul3A_394, %add3A_479 : i32
        %add3A_481 = arith.constant 80 : i32
        %add3A_482 = arith.addi %add3A_480, %add3A_481 : i32
        %get3A_483 = arith.index_cast %add3A_482 : i32 to index
        %get3A_484 = tpu.vector_load %arg7[%get3A_483] {strides = array<i32>} : memref<6400xi32, #tpu.memory_space<vmem>>, vector<16xi32>,
        %swap3A_485 = arith.constant 80 : index
        %swap3A_486 = tpu.vector_load %arg15[%swap3A_485] {strides = array<i32>} : memref<96xi32, #tpu.memory_space<vmem>>, vector<16xi32>,
        tpu.vector_store %arg15[%swap3A_485], %get3A_484 {strides = array<i32>} : memref<96xi32, #tpu.memory_space<vmem>>, vector<16xi32>,
        %dma_start3A_487 = arith.constant 0 : i32
        %dma_start3A_488 = arith.constant 0 : i32
        %dma_start3A_489 = tpu.memref_slice %arg9[%dma_start3A_487, %dma_start3A_488] : memref<200x128xf32, #tpu.memory_space<vmem>> -> memref<104x128xf32, #tpu.memory_space<vmem>>
        %dma_start3A_490 = arith.constant 0 : i32
        %dma_start3A_491 = arith.constant 0 : i32
        %dma_start3A_492 = tpu.memref_slice %arg4[%dma_start3A_490, %dma_start3A_491] : memref<62592x128xf32, #tpu.memory_space<hbm>> -> memref<62592x128xf32, #tpu.memory_space<hbm>>
        tpu.enqueue_indirect_dma source(%dma_start3A_492 : memref<62592x128xf32, #tpu.memory_space<hbm>>) target(%dma_start3A_489 : memref<104x128xf32, #tpu.memory_space<vmem>>) offsets(%arg14 : memref<104xi32, #tpu.memory_space<vmem>>) semaphore(%arg18 : memref<!tpu.dma_semaphore, #tpu.memory_space<semaphore_mem>>)
        %dma_start3A_493 = arith.constant 104 : i32
        %dma_start3A_494 = arith.constant 0 : i32
        %dma_start3A_495 = tpu.memref_slice %arg9[%dma_start3A_493, %dma_start3A_494] : memref<200x128xf32, #tpu.memory_space<vmem>> -> memref<96x128xf32, #tpu.memory_space<vmem>>
        %dma_start3A_496 = arith.constant 0 : i32
        %dma_start3A_497 = arith.constant 0 : i32
        %dma_start3A_498 = tpu.memref_slice %arg4[%dma_start3A_496, %dma_start3A_497] : memref<62592x128xf32, #tpu.memory_space<hbm>> -> memref<62592x128xf32, #tpu.memory_space<hbm>>
        tpu.enqueue_indirect_dma source(%dma_start3A_498 : memref<62592x128xf32, #tpu.memory_space<hbm>>) target(%dma_start3A_495 : memref<96x128xf32, #tpu.memory_space<vmem>>) offsets(%arg15 : memref<96xi32, #tpu.memory_space<vmem>>) semaphore(%arg18 : memref<!tpu.dma_semaphore, #tpu.memory_space<semaphore_mem>>)
      } else {
      }
      %gather3A = tpu.vector_load_idx %arg13[%add3A_227] : memref<64xf32, #tpu.memory_space<vmem>>[vector<16xi32>], vector<16xf32>,
      %add3A_297 = arith.constant 8 : i32
      %add3A_298 = vector.broadcast %add3A_297 : i32 to vector<16xi32>
      %add3A_299 = arith.addi %add3A_227, %add3A_298 : vector<16xi32>
      %gather3A_300 = tpu.vector_load_idx %arg13[%add3A_299] : memref<64xf32, #tpu.memory_space<vmem>>[vector<16xi32>], vector<16xf32>,
      %add3A_301 = arith.addf %gather3A, %gather3A_300 : vector<16xf32>
      %mul3A_302 = vector.broadcast %scan3A_228 : f32 to vector<16xf32>
      %mul3A_303 = arith.mulf %add3A_301, %mul3A_302 : vector<16xf32>
      %get3A_304 = arith.constant 0 : index
      %get3A_305 = tpu.vector_load %arg11[%get3A_304] {strides = array<i32>} : memref<16xf32, #tpu.memory_space<vmem>>, vector<16xf32>,
      %add3A_306 = arith.addf %mul3A_303, %get3A_305 : vector<16xf32>
      %mul3A_307 = arith.constant 16 : i32
      %mul3A_308 = arith.muli %mul3A_239, %mul3A_307 : i32
      %swap3A_309 = arith.index_cast %mul3A_308 : i32 to index
      %swap3A_310 = tpu.vector_load %arg12[%swap3A_309] {strides = array<i32>} : memref<512xf32, #tpu.memory_space<vmem>>, vector<16xf32>,
      tpu.vector_store %arg12[%swap3A_309], %add3A_306 {strides = array<i32>} : memref<512xf32, #tpu.memory_space<vmem>>, vector<16xf32>,
      %mul3A_311 = arith.constant 2 : i32
      %mul3A_312 = arith.muli %mul3A_311, %scan3A_237 : i32
      %add3A_313 = arith.constant 1 : i32
      %add3A_314 = arith.addi %mul3A_312, %add3A_313 : i32
      %dma_wait3A_315 = arith.constant 0 : i32
      %dma_wait3A_316 = arith.constant 0 : i32
      %dma_wait3A_317 = tpu.memref_slice %arg10[%dma_wait3A_315, %dma_wait3A_316] : memref<200x128xf32, #tpu.memory_space<vmem>> -> memref<104x128xf32, #tpu.memory_space<vmem>>
      %dma_wait3A_318 = arith.constant 0 : i32
      %dma_wait3A_319 = arith.constant 0 : i32
      %dma_wait3A_320 = tpu.memref_slice %arg4[%dma_wait3A_318, %dma_wait3A_319] : memref<62592x128xf32, #tpu.memory_space<hbm>> -> memref<62592x128xf32, #tpu.memory_space<hbm>>
      tpu.wait_indirect_dma semaphore(%arg19 : memref<!tpu.dma_semaphore, #tpu.memory_space<semaphore_mem>>) src(%dma_wait3A_320 : memref<62592x128xf32, #tpu.memory_space<hbm>>) dst(%dma_wait3A_317 : memref<104x128xf32, #tpu.memory_space<vmem>>)
      %dma_wait3A_321 = arith.constant 104 : i32
      %dma_wait3A_322 = arith.constant 0 : i32
      %dma_wait3A_323 = tpu.memref_slice %arg10[%dma_wait3A_321, %dma_wait3A_322] : memref<200x128xf32, #tpu.memory_space<vmem>> -> memref<96x128xf32, #tpu.memory_space<vmem>>
      %dma_wait3A_324 = arith.constant 0 : i32
      %dma_wait3A_325 = arith.constant 0 : i32
      %dma_wait3A_326 = tpu.memref_slice %arg4[%dma_wait3A_324, %dma_wait3A_325] : memref<62592x128xf32, #tpu.memory_space<hbm>> -> memref<62592x128xf32, #tpu.memory_space<hbm>>
      tpu.wait_indirect_dma semaphore(%arg19 : memref<!tpu.dma_semaphore, #tpu.memory_space<semaphore_mem>>) src(%dma_wait3A_326 : memref<62592x128xf32, #tpu.memory_space<hbm>>) dst(%dma_wait3A_323 : memref<96x128xf32, #tpu.memory_space<vmem>>)
      %mul3A_327 = arith.constant 200 : i32
      %mul3A_328 = arith.muli %add3A_314, %mul3A_327 : i32
      %broadcast_in_dim3A_329 = arith.constant 0.000000e+00 : f32
      %broadcast_in_dim3A_330 = vector.broadcast %broadcast_in_dim3A_329 : f32 to vector<16xf32>
      %scan3A_331 = arith.constant 0 : i32
      %scan3A_332 = arith.constant 25 : i32
      %scan3A_333 = arith.addi %scan3A_331, %scan3A_332 : i32
      %scan3A_334 = arith.constant 1 : i32
      %scan3A_335 = scf.for %scan3A_391 = %scan3A_331 to %scan3A_333 step %scan3A_334 iter_args(%scan3A_392 = %broadcast_in_dim3A_330) -> (vector<16xf32>)  : i32 {
        %mul3A_393 = arith.constant 2 : i32
        %mul3A_394 = arith.muli %mul3A_393, %scan3A_391 : i32
        %add3A_395 = arith.constant 0 : i32
        %add3A_396 = arith.addi %add3A_395, %mul3A_394 : i32
        %add3A_397 = vector.broadcast %add3A_396 : i32 to vector<16xi32>
        %add3A_398 = arith.addi %add3A_397, %select_n3A : vector<16xi32>
        %add3A_399 = vector.broadcast %mul3A_328 : i32 to vector<16xi32>
        %add3A_400 = arith.addi %add3A_399, %add3A_398 : vector<16xi32>
        %gather3A_401 = tpu.vector_load_idx %arg8[%add3A_400] : memref<6400xi32, #tpu.memory_space<vmem>>[vector<16xi32>], vector<16xi32>,
        %add3A_402 = arith.addi %gather3A_401, %select_n3A_170 : vector<16xi32>
        %gather3A_403 = tpu.vector_load_idx %arg10[%add3A_398, %add3A_402] : memref<200x128xf32, #tpu.memory_space<vmem>>[vector<16xi32>, vector<16xi32>], vector<16xf32>,
        %add3A_404 = arith.addf %scan3A_392, %gather3A_403 : vector<16xf32>
        scf.yield %add3A_404 : vector<16xf32>
      }
      %scan3A_336 = arith.constant 25 : i32
      %swap3A_337 = arith.constant 0 : index
      %swap3A_338 = tpu.vector_load %arg13[%swap3A_337] {strides = array<i32>} : memref<64xf32, #tpu.memory_space<vmem>>, vector<16xf32>,
      tpu.vector_store %arg13[%swap3A_337], %scan3A_335 {strides = array<i32>} : memref<64xf32, #tpu.memory_space<vmem>>, vector<16xf32>,
      %broadcast_in_dim3A_339 = arith.constant 0.000000e+00 : f32
      %broadcast_in_dim3A_340 = vector.broadcast %broadcast_in_dim3A_339 : f32 to vector<16xf32>
      %scan3A_341 = arith.constant 0 : i32
      %scan3A_342 = arith.constant 25 : i32
      %scan3A_343 = arith.addi %scan3A_341, %scan3A_342 : i32
      %scan3A_344 = arith.constant 1 : i32
      %scan3A_345 = scf.for %scan3A_391 = %scan3A_341 to %scan3A_343 step %scan3A_344 iter_args(%scan3A_392 = %broadcast_in_dim3A_340) -> (vector<16xf32>)  : i32 {
        %mul3A_393 = arith.constant 2 : i32
        %mul3A_394 = arith.muli %mul3A_393, %scan3A_391 : i32
        %add3A_395 = arith.constant 50 : i32
        %add3A_396 = arith.addi %add3A_395, %mul3A_394 : i32
        %add3A_397 = vector.broadcast %add3A_396 : i32 to vector<16xi32>
        %add3A_398 = arith.addi %add3A_397, %select_n3A : vector<16xi32>
        %add3A_399 = vector.broadcast %mul3A_328 : i32 to vector<16xi32>
        %add3A_400 = arith.addi %add3A_399, %add3A_398 : vector<16xi32>
        %gather3A_401 = tpu.vector_load_idx %arg8[%add3A_400] : memref<6400xi32, #tpu.memory_space<vmem>>[vector<16xi32>], vector<16xi32>,
        %add3A_402 = arith.addi %gather3A_401, %select_n3A_170 : vector<16xi32>
        %gather3A_403 = tpu.vector_load_idx %arg10[%add3A_398, %add3A_402] : memref<200x128xf32, #tpu.memory_space<vmem>>[vector<16xi32>, vector<16xi32>], vector<16xf32>,
        %add3A_404 = arith.addf %scan3A_392, %gather3A_403 : vector<16xf32>
        scf.yield %add3A_404 : vector<16xf32>
      }
      %scan3A_346 = arith.constant 25 : i32
      %swap3A_347 = arith.constant 16 : index
      %swap3A_348 = tpu.vector_load %arg13[%swap3A_347] {strides = array<i32>} : memref<64xf32, #tpu.memory_space<vmem>>, vector<16xf32>,
      tpu.vector_store %arg13[%swap3A_347], %scan3A_345 {strides = array<i32>} : memref<64xf32, #tpu.memory_space<vmem>>, vector<16xf32>,
      %broadcast_in_dim3A_349 = arith.constant 0.000000e+00 : f32
      %broadcast_in_dim3A_350 = vector.broadcast %broadcast_in_dim3A_349 : f32 to vector<16xf32>
      %scan3A_351 = arith.constant 0 : i32
      %scan3A_352 = arith.constant 25 : i32
      %scan3A_353 = arith.addi %scan3A_351, %scan3A_352 : i32
      %scan3A_354 = arith.constant 1 : i32
      %scan3A_355 = scf.for %scan3A_391 = %scan3A_351 to %scan3A_353 step %scan3A_354 iter_args(%scan3A_392 = %broadcast_in_dim3A_350) -> (vector<16xf32>)  : i32 {
        %mul3A_393 = arith.constant 2 : i32
        %mul3A_394 = arith.muli %mul3A_393, %scan3A_391 : i32
        %add3A_395 = arith.constant 100 : i32
        %add3A_396 = arith.addi %add3A_395, %mul3A_394 : i32
        %add3A_397 = vector.broadcast %add3A_396 : i32 to vector<16xi32>
        %add3A_398 = arith.addi %add3A_397, %select_n3A : vector<16xi32>
        %add3A_399 = vector.broadcast %mul3A_328 : i32 to vector<16xi32>
        %add3A_400 = arith.addi %add3A_399, %add3A_398 : vector<16xi32>
        %gather3A_401 = tpu.vector_load_idx %arg8[%add3A_400] : memref<6400xi32, #tpu.memory_space<vmem>>[vector<16xi32>], vector<16xi32>,
        %add3A_402 = arith.addi %gather3A_401, %select_n3A_170 : vector<16xi32>
        %gather3A_403 = tpu.vector_load_idx %arg10[%add3A_398, %add3A_402] : memref<200x128xf32, #tpu.memory_space<vmem>>[vector<16xi32>, vector<16xi32>], vector<16xf32>,
        %add3A_404 = arith.addf %scan3A_392, %gather3A_403 : vector<16xf32>
        scf.yield %add3A_404 : vector<16xf32>
      }
      %scan3A_356 = arith.constant 25 : i32
      %swap3A_357 = arith.constant 32 : index
      %swap3A_358 = tpu.vector_load %arg13[%swap3A_357] {strides = array<i32>} : memref<64xf32, #tpu.memory_space<vmem>>, vector<16xf32>,
      tpu.vector_store %arg13[%swap3A_357], %scan3A_355 {strides = array<i32>} : memref<64xf32, #tpu.memory_space<vmem>>, vector<16xf32>,
      %broadcast_in_dim3A_359 = arith.constant 0.000000e+00 : f32
      %broadcast_in_dim3A_360 = vector.broadcast %broadcast_in_dim3A_359 : f32 to vector<16xf32>
      %scan3A_361 = arith.constant 0 : i32
      %scan3A_362 = arith.constant 25 : i32
      %scan3A_363 = arith.addi %scan3A_361, %scan3A_362 : i32
      %scan3A_364 = arith.constant 1 : i32
      %scan3A_365 = scf.for %scan3A_391 = %scan3A_361 to %scan3A_363 step %scan3A_364 iter_args(%scan3A_392 = %broadcast_in_dim3A_360) -> (vector<16xf32>)  : i32 {
        %mul3A_393 = arith.constant 2 : i32
        %mul3A_394 = arith.muli %mul3A_393, %scan3A_391 : i32
        %add3A_395 = arith.constant 150 : i32
        %add3A_396 = arith.addi %add3A_395, %mul3A_394 : i32
        %add3A_397 = vector.broadcast %add3A_396 : i32 to vector<16xi32>
        %add3A_398 = arith.addi %add3A_397, %select_n3A : vector<16xi32>
        %add3A_399 = vector.broadcast %mul3A_328 : i32 to vector<16xi32>
        %add3A_400 = arith.addi %add3A_399, %add3A_398 : vector<16xi32>
        %gather3A_401 = tpu.vector_load_idx %arg8[%add3A_400] : memref<6400xi32, #tpu.memory_space<vmem>>[vector<16xi32>], vector<16xi32>,
        %add3A_402 = arith.addi %gather3A_401, %select_n3A_170 : vector<16xi32>
        %gather3A_403 = tpu.vector_load_idx %arg10[%add3A_398, %add3A_402] : memref<200x128xf32, #tpu.memory_space<vmem>>[vector<16xi32>, vector<16xi32>], vector<16xf32>,
        %add3A_404 = arith.addf %scan3A_392, %gather3A_403 : vector<16xf32>
        scf.yield %add3A_404 : vector<16xf32>
      }
      %scan3A_366 = arith.constant 25 : i32
      %swap3A_367 = arith.constant 48 : index
      %swap3A_368 = tpu.vector_load %arg13[%swap3A_367] {strides = array<i32>} : memref<64xf32, #tpu.memory_space<vmem>>, vector<16xf32>,
      tpu.vector_store %arg13[%swap3A_367], %scan3A_365 {strides = array<i32>} : memref<64xf32, #tpu.memory_space<vmem>>, vector<16xf32>,
      %add3A_369 = arith.constant 2 : i32
      %add3A_370 = arith.addi %add3A_314, %add3A_369 : i32
      %lt3A_371 = arith.constant 32 : i32
      %lt3A_372 = arith.cmpi slt, %add3A_370, %lt3A_371 : i32
      %convert_element_type3A_373 = arith.extui %lt3A_372 : i1 to i32
      %cond3A_374 = arith.constant 0 : i32
      %cond3A_375 = arith.cmpi ne, %convert_element_type3A_373, %cond3A_374 : i32
      scf.if %cond3A_375 {
        %add3A_391 = arith.constant 2 : i32
        %add3A_392 = arith.addi %add3A_314, %add3A_391 : i32
        %mul3A_393 = arith.constant 200 : i32
        %mul3A_394 = arith.muli %add3A_392, %mul3A_393 : i32
        %add3A_395 = arith.constant 0 : i32
        %add3A_396 = arith.addi %mul3A_394, %add3A_395 : i32
        %get3A_397 = arith.index_cast %add3A_396 : i32 to index
        %get3A_398 = tpu.vector_load %arg7[%get3A_397] {strides = array<i32>} : memref<6400xi32, #tpu.memory_space<vmem>>, vector<16xi32>,
        %swap3A_399 = arith.constant 0 : index
        %swap3A_400 = tpu.vector_load %arg16[%swap3A_399] {strides = array<i32>} : memref<104xi32, #tpu.memory_space<vmem>>, vector<16xi32>,
        tpu.vector_store %arg16[%swap3A_399], %get3A_398 {strides = array<i32>} : memref<104xi32, #tpu.memory_space<vmem>>, vector<16xi32>,
        %add3A_401 = arith.constant 16 : i32
        %add3A_402 = arith.addi %mul3A_394, %add3A_401 : i32
        %get3A_403 = arith.index_cast %add3A_402 : i32 to index
        %get3A_404 = tpu.vector_load %arg7[%get3A_403] {strides = array<i32>} : memref<6400xi32, #tpu.memory_space<vmem>>, vector<16xi32>,
        %swap3A_405 = arith.constant 16 : index
        %swap3A_406 = tpu.vector_load %arg16[%swap3A_405] {strides = array<i32>} : memref<104xi32, #tpu.memory_space<vmem>>, vector<16xi32>,
        tpu.vector_store %arg16[%swap3A_405], %get3A_404 {strides = array<i32>} : memref<104xi32, #tpu.memory_space<vmem>>, vector<16xi32>,
        %add3A_407 = arith.constant 32 : i32
        %add3A_408 = arith.addi %mul3A_394, %add3A_407 : i32
        %get3A_409 = arith.index_cast %add3A_408 : i32 to index
        %get3A_410 = tpu.vector_load %arg7[%get3A_409] {strides = array<i32>} : memref<6400xi32, #tpu.memory_space<vmem>>, vector<16xi32>,
        %swap3A_411 = arith.constant 32 : index
        %swap3A_412 = tpu.vector_load %arg16[%swap3A_411] {strides = array<i32>} : memref<104xi32, #tpu.memory_space<vmem>>, vector<16xi32>,
        tpu.vector_store %arg16[%swap3A_411], %get3A_410 {strides = array<i32>} : memref<104xi32, #tpu.memory_space<vmem>>, vector<16xi32>,
        %add3A_413 = arith.constant 48 : i32
        %add3A_414 = arith.addi %mul3A_394, %add3A_413 : i32
        %get3A_415 = arith.index_cast %add3A_414 : i32 to index
        %get3A_416 = tpu.vector_load %arg7[%get3A_415] {strides = array<i32>} : memref<6400xi32, #tpu.memory_space<vmem>>, vector<16xi32>,
        %swap3A_417 = arith.constant 48 : index
        %swap3A_418 = tpu.vector_load %arg16[%swap3A_417] {strides = array<i32>} : memref<104xi32, #tpu.memory_space<vmem>>, vector<16xi32>,
        tpu.vector_store %arg16[%swap3A_417], %get3A_416 {strides = array<i32>} : memref<104xi32, #tpu.memory_space<vmem>>, vector<16xi32>,
        %add3A_419 = arith.constant 64 : i32
        %add3A_420 = arith.addi %mul3A_394, %add3A_419 : i32
        %get3A_421 = arith.index_cast %add3A_420 : i32 to index
        %get3A_422 = tpu.vector_load %arg7[%get3A_421] {strides = array<i32>} : memref<6400xi32, #tpu.memory_space<vmem>>, vector<16xi32>,
        %swap3A_423 = arith.constant 64 : index
        %swap3A_424 = tpu.vector_load %arg16[%swap3A_423] {strides = array<i32>} : memref<104xi32, #tpu.memory_space<vmem>>, vector<16xi32>,
        tpu.vector_store %arg16[%swap3A_423], %get3A_422 {strides = array<i32>} : memref<104xi32, #tpu.memory_space<vmem>>, vector<16xi32>,
        %add3A_425 = arith.constant 80 : i32
        %add3A_426 = arith.addi %mul3A_394, %add3A_425 : i32
        %get3A_427 = arith.index_cast %add3A_426 : i32 to index
        %get3A_428 = tpu.vector_load %arg7[%get3A_427] {strides = array<i32>} : memref<6400xi32, #tpu.memory_space<vmem>>, vector<16xi32>,
        %swap3A_429 = arith.constant 80 : index
        %swap3A_430 = tpu.vector_load %arg16[%swap3A_429] {strides = array<i32>} : memref<104xi32, #tpu.memory_space<vmem>>, vector<16xi32>,
        tpu.vector_store %arg16[%swap3A_429], %get3A_428 {strides = array<i32>} : memref<104xi32, #tpu.memory_space<vmem>>, vector<16xi32>,
        %add3A_431 = arith.constant 104 : i32
        %add3A_432 = arith.addi %mul3A_394, %add3A_431 : i32
        %sub3A_433 = arith.constant 16 : i32
        %sub3A_434 = arith.subi %add3A_432, %sub3A_433 : i32
        %get3A_435 = arith.index_cast %sub3A_434 : i32 to index
        %get3A_436 = tpu.vector_load %arg7[%get3A_435] {strides = array<i32>} : memref<6400xi32, #tpu.memory_space<vmem>>, vector<16xi32>,
        %swap3A_437 = arith.constant 88 : index
        %swap3A_438 = tpu.vector_load %arg16[%swap3A_437] {strides = array<i32>} : memref<104xi32, #tpu.memory_space<vmem>>, vector<16xi32>,
        tpu.vector_store %arg16[%swap3A_437], %get3A_436 {strides = array<i32>} : memref<104xi32, #tpu.memory_space<vmem>>, vector<16xi32>,
        %add3A_439 = arith.constant 104 : i32
        %add3A_440 = arith.addi %mul3A_394, %add3A_439 : i32
        %add3A_441 = arith.constant 0 : i32
        %add3A_442 = arith.addi %add3A_440, %add3A_441 : i32
        %get3A_443 = arith.index_cast %add3A_442 : i32 to index
        %get3A_444 = tpu.vector_load %arg7[%get3A_443] {strides = array<i32>} : memref<6400xi32, #tpu.memory_space<vmem>>, vector<16xi32>,
        %swap3A_445 = arith.constant 0 : index
        %swap3A_446 = tpu.vector_load %arg17[%swap3A_445] {strides = array<i32>} : memref<96xi32, #tpu.memory_space<vmem>>, vector<16xi32>,
        tpu.vector_store %arg17[%swap3A_445], %get3A_444 {strides = array<i32>} : memref<96xi32, #tpu.memory_space<vmem>>, vector<16xi32>,
        %add3A_447 = arith.constant 104 : i32
        %add3A_448 = arith.addi %mul3A_394, %add3A_447 : i32
        %add3A_449 = arith.constant 16 : i32
        %add3A_450 = arith.addi %add3A_448, %add3A_449 : i32
        %get3A_451 = arith.index_cast %add3A_450 : i32 to index
        %get3A_452 = tpu.vector_load %arg7[%get3A_451] {strides = array<i32>} : memref<6400xi32, #tpu.memory_space<vmem>>, vector<16xi32>,
        %swap3A_453 = arith.constant 16 : index
        %swap3A_454 = tpu.vector_load %arg17[%swap3A_453] {strides = array<i32>} : memref<96xi32, #tpu.memory_space<vmem>>, vector<16xi32>,
        tpu.vector_store %arg17[%swap3A_453], %get3A_452 {strides = array<i32>} : memref<96xi32, #tpu.memory_space<vmem>>, vector<16xi32>,
        %add3A_455 = arith.constant 104 : i32
        %add3A_456 = arith.addi %mul3A_394, %add3A_455 : i32
        %add3A_457 = arith.constant 32 : i32
        %add3A_458 = arith.addi %add3A_456, %add3A_457 : i32
        %get3A_459 = arith.index_cast %add3A_458 : i32 to index
        %get3A_460 = tpu.vector_load %arg7[%get3A_459] {strides = array<i32>} : memref<6400xi32, #tpu.memory_space<vmem>>, vector<16xi32>,
        %swap3A_461 = arith.constant 32 : index
        %swap3A_462 = tpu.vector_load %arg17[%swap3A_461] {strides = array<i32>} : memref<96xi32, #tpu.memory_space<vmem>>, vector<16xi32>,
        tpu.vector_store %arg17[%swap3A_461], %get3A_460 {strides = array<i32>} : memref<96xi32, #tpu.memory_space<vmem>>, vector<16xi32>,
        %add3A_463 = arith.constant 104 : i32
        %add3A_464 = arith.addi %mul3A_394, %add3A_463 : i32
        %add3A_465 = arith.constant 48 : i32
        %add3A_466 = arith.addi %add3A_464, %add3A_465 : i32
        %get3A_467 = arith.index_cast %add3A_466 : i32 to index
        %get3A_468 = tpu.vector_load %arg7[%get3A_467] {strides = array<i32>} : memref<6400xi32, #tpu.memory_space<vmem>>, vector<16xi32>,
        %swap3A_469 = arith.constant 48 : index
        %swap3A_470 = tpu.vector_load %arg17[%swap3A_469] {strides = array<i32>} : memref<96xi32, #tpu.memory_space<vmem>>, vector<16xi32>,
        tpu.vector_store %arg17[%swap3A_469], %get3A_468 {strides = array<i32>} : memref<96xi32, #tpu.memory_space<vmem>>, vector<16xi32>,
        %add3A_471 = arith.constant 104 : i32
        %add3A_472 = arith.addi %mul3A_394, %add3A_471 : i32
        %add3A_473 = arith.constant 64 : i32
        %add3A_474 = arith.addi %add3A_472, %add3A_473 : i32
        %get3A_475 = arith.index_cast %add3A_474 : i32 to index
        %get3A_476 = tpu.vector_load %arg7[%get3A_475] {strides = array<i32>} : memref<6400xi32, #tpu.memory_space<vmem>>, vector<16xi32>,
        %swap3A_477 = arith.constant 64 : index
        %swap3A_478 = tpu.vector_load %arg17[%swap3A_477] {strides = array<i32>} : memref<96xi32, #tpu.memory_space<vmem>>, vector<16xi32>,
        tpu.vector_store %arg17[%swap3A_477], %get3A_476 {strides = array<i32>} : memref<96xi32, #tpu.memory_space<vmem>>, vector<16xi32>,
        %add3A_479 = arith.constant 104 : i32
        %add3A_480 = arith.addi %mul3A_394, %add3A_479 : i32
        %add3A_481 = arith.constant 80 : i32
        %add3A_482 = arith.addi %add3A_480, %add3A_481 : i32
        %get3A_483 = arith.index_cast %add3A_482 : i32 to index
        %get3A_484 = tpu.vector_load %arg7[%get3A_483] {strides = array<i32>} : memref<6400xi32, #tpu.memory_space<vmem>>, vector<16xi32>,
        %swap3A_485 = arith.constant 80 : index
        %swap3A_486 = tpu.vector_load %arg17[%swap3A_485] {strides = array<i32>} : memref<96xi32, #tpu.memory_space<vmem>>, vector<16xi32>,
        tpu.vector_store %arg17[%swap3A_485], %get3A_484 {strides = array<i32>} : memref<96xi32, #tpu.memory_space<vmem>>, vector<16xi32>,
        %dma_start3A_487 = arith.constant 0 : i32
        %dma_start3A_488 = arith.constant 0 : i32
        %dma_start3A_489 = tpu.memref_slice %arg10[%dma_start3A_487, %dma_start3A_488] : memref<200x128xf32, #tpu.memory_space<vmem>> -> memref<104x128xf32, #tpu.memory_space<vmem>>
        %dma_start3A_490 = arith.constant 0 : i32
        %dma_start3A_491 = arith.constant 0 : i32
        %dma_start3A_492 = tpu.memref_slice %arg4[%dma_start3A_490, %dma_start3A_491] : memref<62592x128xf32, #tpu.memory_space<hbm>> -> memref<62592x128xf32, #tpu.memory_space<hbm>>
        tpu.enqueue_indirect_dma source(%dma_start3A_492 : memref<62592x128xf32, #tpu.memory_space<hbm>>) target(%dma_start3A_489 : memref<104x128xf32, #tpu.memory_space<vmem>>) offsets(%arg16 : memref<104xi32, #tpu.memory_space<vmem>>) semaphore(%arg19 : memref<!tpu.dma_semaphore, #tpu.memory_space<semaphore_mem>>)
        %dma_start3A_493 = arith.constant 104 : i32
        %dma_start3A_494 = arith.constant 0 : i32
        %dma_start3A_495 = tpu.memref_slice %arg10[%dma_start3A_493, %dma_start3A_494] : memref<200x128xf32, #tpu.memory_space<vmem>> -> memref<96x128xf32, #tpu.memory_space<vmem>>
        %dma_start3A_496 = arith.constant 0 : i32
        %dma_start3A_497 = arith.constant 0 : i32
        %dma_start3A_498 = tpu.memref_slice %arg4[%dma_start3A_496, %dma_start3A_497] : memref<62592x128xf32, #tpu.memory_space<hbm>> -> memref<62592x128xf32, #tpu.memory_space<hbm>>
        tpu.enqueue_indirect_dma source(%dma_start3A_498 : memref<62592x128xf32, #tpu.memory_space<hbm>>) target(%dma_start3A_495 : memref<96x128xf32, #tpu.memory_space<vmem>>) offsets(%arg17 : memref<96xi32, #tpu.memory_space<vmem>>) semaphore(%arg19 : memref<!tpu.dma_semaphore, #tpu.memory_space<semaphore_mem>>)
      } else {
      }
      %gather3A_376 = tpu.vector_load_idx %arg13[%add3A_227] : memref<64xf32, #tpu.memory_space<vmem>>[vector<16xi32>], vector<16xf32>,
      %add3A_377 = arith.constant 8 : i32
      %add3A_378 = vector.broadcast %add3A_377 : i32 to vector<16xi32>
      %add3A_379 = arith.addi %add3A_227, %add3A_378 : vector<16xi32>
      %gather3A_380 = tpu.vector_load_idx %arg13[%add3A_379] : memref<64xf32, #tpu.memory_space<vmem>>[vector<16xi32>], vector<16xf32>,
      %add3A_381 = arith.addf %gather3A_376, %gather3A_380 : vector<16xf32>
      %mul3A_382 = vector.broadcast %scan3A_228 : f32 to vector<16xf32>
      %mul3A_383 = arith.mulf %add3A_381, %mul3A_382 : vector<16xf32>
      %get3A_384 = arith.constant 0 : index
      %get3A_385 = tpu.vector_load %arg11[%get3A_384] {strides = array<i32>} : memref<16xf32, #tpu.memory_space<vmem>>, vector<16xf32>,
      %add3A_386 = arith.addf %mul3A_383, %get3A_385 : vector<16xf32>
      %mul3A_387 = arith.constant 16 : i32
      %mul3A_388 = arith.muli %add3A_314, %mul3A_387 : i32
      %swap3A_389 = arith.index_cast %mul3A_388 : i32 to index
      %swap3A_390 = tpu.vector_load %arg12[%swap3A_389] {strides = array<i32>} : memref<512xf32, #tpu.memory_space<vmem>>, vector<16xf32>,
      tpu.vector_store %arg12[%swap3A_389], %add3A_386 {strides = array<i32>} : memref<512xf32, #tpu.memory_space<vmem>>, vector<16xf32>,
    }
    %scan3A_233 = arith.constant 16 : i32
    %mul3A_234 = arith.constant 512 : i32
    %mul3A_235 = arith.muli %add3A, %mul3A_234 : i32
    %multiple_of3A_236 = tpu.assume_multiple %mul3A_235, 8 : i32
    "tpu.region"() ({
      %run_scoped3A = tpu.sem_alloc : memref<!tpu.dma_semaphore, #tpu.memory_space<semaphore_mem>>
      %dma_start3A_237 = tpu.memref_slice %arg6[%multiple_of3A_236] : memref<16384xf32, #tpu.memory_space<hbm>> -> memref<512xf32, #tpu.memory_space<hbm>>
      %dma_start3A_238 = tpu.memref_slice %arg6[%multiple_of3A_236] : memref<16384xf32, #tpu.memory_space<hbm>> -> memref<512xf32, #tpu.memory_space<hbm>>
      tpu.enqueue_dma source(%arg12 : memref<512xf32, #tpu.memory_space<vmem>>) target(%dma_start3A_238 : memref<512xf32, #tpu.memory_space<hbm>>) target_semaphore(%run_scoped3A : memref<!tpu.dma_semaphore, #tpu.memory_space<semaphore_mem>>)
      %dma_wait3A = tpu.memref_slice %arg6[%multiple_of3A_236] : memref<16384xf32, #tpu.memory_space<hbm>> -> memref<512xf32, #tpu.memory_space<hbm>>
      %dma_wait3A_239 = tpu.memref_slice %arg6[%multiple_of3A_236] : memref<16384xf32, #tpu.memory_space<hbm>> -> memref<512xf32, #tpu.memory_space<hbm>>
      tpu.wait_dma2 semaphore(%run_scoped3A : memref<!tpu.dma_semaphore, #tpu.memory_space<semaphore_mem>>) src(%arg12 : memref<512xf32, #tpu.memory_space<vmem>>) dst(%dma_wait3A_239 : memref<512xf32, #tpu.memory_space<hbm>>)
      tpu.yield
    }) : () -> ()
    return
  }
}

module attributes {stable_mosaic.version = 14 : i64} {
  func.func @_proj_body(%arg0: i32, %arg1: memref<300x384xf32, #tpu.memory_space<vmem>>, %arg2: memref<300x384xf32, #tpu.memory_space<vmem>>, %arg3: memref<300x384xf32, #tpu.memory_space<vmem>>, %arg4: memref<300x384xf32, #tpu.memory_space<vmem>>, %arg5: memref<300x384xf32, #tpu.memory_space<vmem>>, %arg6: memref<300x384xf32, #tpu.memory_space<vmem>>, %arg7: memref<300x384xf32, #tpu.memory_space<vmem>>, %arg8: memref<300x384xf32, #tpu.memory_space<vmem>>, %arg9: memref<300x384xf32, #tpu.memory_space<vmem>>, %arg10: memref<300x384xf32, #tpu.memory_space<vmem>>, %arg11: memref<300x384xf32, #tpu.memory_space<vmem>>, %arg12: memref<300x384xf32, #tpu.memory_space<vmem>>, %arg13: memref<300x384xf32, #tpu.memory_space<vmem>>, %arg14: memref<300x384xf32, #tpu.memory_space<vmem>>, %arg15: memref<300x384xf32, #tpu.memory_space<vmem>>, %arg16: memref<300x384xf32, #tpu.memory_space<vmem>>, %arg17: memref<300x2048xf32, #tpu.memory_space<vmem>>, %arg18: memref<384x128xf32, #tpu.memory_space<vmem>>) attributes {dimension_semantics = [#tpu.dimension_semantics<arbitrary>], iteration_bounds = array<i64: 163>, scalar_prefetch = 0 : i64, scratch_operands = 0 : i64, tpu.core_type = #tpu.core_type<tc>, window_params = [{transform_indices = @transform_0, window_bounds = array<i64: 300, 384>}, {transform_indices = @transform_1, window_bounds = array<i64: 300, 384>}, {transform_indices = @transform_2, window_bounds = array<i64: 300, 384>}, {transform_indices = @transform_3, window_bounds = array<i64: 300, 384>}, {transform_indices = @transform_4, window_bounds = array<i64: 300, 384>}, {transform_indices = @transform_5, window_bounds = array<i64: 300, 384>}, {transform_indices = @transform_6, window_bounds = array<i64: 300, 384>}, {transform_indices = @transform_7, window_bounds = array<i64: 300, 384>}, {transform_indices = @transform_8, window_bounds = array<i64: 300, 384>}, {transform_indices = @transform_9, window_bounds = array<i64: 300, 384>}, {transform_indices = @transform_10, window_bounds = array<i64: 300, 384>}, {transform_indices = @transform_11, window_bounds = array<i64: 300, 384>}, {transform_indices = @transform_12, window_bounds = array<i64: 300, 384>}, {transform_indices = @transform_13, window_bounds = array<i64: 300, 384>}, {transform_indices = @transform_14, window_bounds = array<i64: 300, 384>}, {transform_indices = @transform_15, window_bounds = array<i64: 300, 384>}, {pipeline_mode = #tpu.pipeline_mode<synchronous>, transform_indices = @transform_16, window_bounds = array<i64: 300, 2048>}, {transform_indices = @transform_17, window_bounds = array<i64: 384, 128>}]} {
    %get3A = arith.constant 0 : index
    %get3A_0 = arith.constant 0 : index
    %get3A_1 = vector.load %arg1[%get3A, %get3A_0] : memref<300x384xf32, #tpu.memory_space<vmem>>, vector<300x384xf32>
    %convert_element_type3A = arith.truncf %get3A_1 : vector<300x384xf32> to vector<300x384xbf16>
    %get3A_2 = arith.constant 0 : index
    %get3A_3 = arith.constant 0 : index
    %get3A_4 = vector.load %arg17[%get3A_2, %get3A_3] : memref<300x2048xf32, #tpu.memory_space<vmem>>, vector<300x128xf32>
    %convert_element_type3A_5 = arith.truncf %get3A_4 : vector<300x128xf32> to vector<300x128xbf16>
    %dot_general3A = arith.constant dense<0.000000e+00> : vector<384x128xf32>
    %dot_general3A_6 = tpu.matmul %convert_element_type3A, %convert_element_type3A_5, %dot_general3A {dimension_numbers = #tpu.dot_dimension_numbers<[0], [0], [1], [1], [0, 1, 1, 1], [], []>, transpose_lhs_hint = false} : vector<300x384xbf16>, vector<300x128xbf16>, vector<384x128xf32> -> vector<384x128xf32>
    %get3A_7 = arith.constant 0 : index
    %get3A_8 = arith.constant 0 : index
    %get3A_9 = vector.load %arg2[%get3A_7, %get3A_8] : memref<300x384xf32, #tpu.memory_space<vmem>>, vector<300x384xf32>
    %convert_element_type3A_10 = arith.truncf %get3A_9 : vector<300x384xf32> to vector<300x384xbf16>
    %get3A_11 = arith.constant 0 : index
    %get3A_12 = arith.constant 128 : index
    %get3A_13 = vector.load %arg17[%get3A_11, %get3A_12] : memref<300x2048xf32, #tpu.memory_space<vmem>>, vector<300x128xf32>
    %convert_element_type3A_14 = arith.truncf %get3A_13 : vector<300x128xf32> to vector<300x128xbf16>
    %dot_general3A_15 = arith.constant dense<0.000000e+00> : vector<384x128xf32>
    %dot_general3A_16 = tpu.matmul %convert_element_type3A_10, %convert_element_type3A_14, %dot_general3A_15 {dimension_numbers = #tpu.dot_dimension_numbers<[0], [0], [1], [1], [0, 1, 1, 1], [], []>, transpose_lhs_hint = false} : vector<300x384xbf16>, vector<300x128xbf16>, vector<384x128xf32> -> vector<384x128xf32>
    %add3A = arith.addf %dot_general3A_6, %dot_general3A_16 : vector<384x128xf32>
    %get3A_17 = arith.constant 0 : index
    %get3A_18 = arith.constant 0 : index
    %get3A_19 = vector.load %arg3[%get3A_17, %get3A_18] : memref<300x384xf32, #tpu.memory_space<vmem>>, vector<300x384xf32>
    %convert_element_type3A_20 = arith.truncf %get3A_19 : vector<300x384xf32> to vector<300x384xbf16>
    %get3A_21 = arith.constant 0 : index
    %get3A_22 = arith.constant 256 : index
    %get3A_23 = vector.load %arg17[%get3A_21, %get3A_22] : memref<300x2048xf32, #tpu.memory_space<vmem>>, vector<300x128xf32>
    %convert_element_type3A_24 = arith.truncf %get3A_23 : vector<300x128xf32> to vector<300x128xbf16>
    %dot_general3A_25 = arith.constant dense<0.000000e+00> : vector<384x128xf32>
    %dot_general3A_26 = tpu.matmul %convert_element_type3A_20, %convert_element_type3A_24, %dot_general3A_25 {dimension_numbers = #tpu.dot_dimension_numbers<[0], [0], [1], [1], [0, 1, 1, 1], [], []>, transpose_lhs_hint = false} : vector<300x384xbf16>, vector<300x128xbf16>, vector<384x128xf32> -> vector<384x128xf32>
    %add3A_27 = arith.addf %add3A, %dot_general3A_26 : vector<384x128xf32>
    %get3A_28 = arith.constant 0 : index
    %get3A_29 = arith.constant 0 : index
    %get3A_30 = vector.load %arg4[%get3A_28, %get3A_29] : memref<300x384xf32, #tpu.memory_space<vmem>>, vector<300x384xf32>
    %convert_element_type3A_31 = arith.truncf %get3A_30 : vector<300x384xf32> to vector<300x384xbf16>
    %get3A_32 = arith.constant 0 : index
    %get3A_33 = arith.constant 384 : index
    %get3A_34 = vector.load %arg17[%get3A_32, %get3A_33] : memref<300x2048xf32, #tpu.memory_space<vmem>>, vector<300x128xf32>
    %convert_element_type3A_35 = arith.truncf %get3A_34 : vector<300x128xf32> to vector<300x128xbf16>
    %dot_general3A_36 = arith.constant dense<0.000000e+00> : vector<384x128xf32>
    %dot_general3A_37 = tpu.matmul %convert_element_type3A_31, %convert_element_type3A_35, %dot_general3A_36 {dimension_numbers = #tpu.dot_dimension_numbers<[0], [0], [1], [1], [0, 1, 1, 1], [], []>, transpose_lhs_hint = false} : vector<300x384xbf16>, vector<300x128xbf16>, vector<384x128xf32> -> vector<384x128xf32>
    %add3A_38 = arith.addf %add3A_27, %dot_general3A_37 : vector<384x128xf32>
    %get3A_39 = arith.constant 0 : index
    %get3A_40 = arith.constant 0 : index
    %get3A_41 = vector.load %arg5[%get3A_39, %get3A_40] : memref<300x384xf32, #tpu.memory_space<vmem>>, vector<300x384xf32>
    %convert_element_type3A_42 = arith.truncf %get3A_41 : vector<300x384xf32> to vector<300x384xbf16>
    %get3A_43 = arith.constant 0 : index
    %get3A_44 = arith.constant 512 : index
    %get3A_45 = vector.load %arg17[%get3A_43, %get3A_44] : memref<300x2048xf32, #tpu.memory_space<vmem>>, vector<300x128xf32>
    %convert_element_type3A_46 = arith.truncf %get3A_45 : vector<300x128xf32> to vector<300x128xbf16>
    %dot_general3A_47 = arith.constant dense<0.000000e+00> : vector<384x128xf32>
    %dot_general3A_48 = tpu.matmul %convert_element_type3A_42, %convert_element_type3A_46, %dot_general3A_47 {dimension_numbers = #tpu.dot_dimension_numbers<[0], [0], [1], [1], [0, 1, 1, 1], [], []>, transpose_lhs_hint = false} : vector<300x384xbf16>, vector<300x128xbf16>, vector<384x128xf32> -> vector<384x128xf32>
    %add3A_49 = arith.addf %add3A_38, %dot_general3A_48 : vector<384x128xf32>
    %get3A_50 = arith.constant 0 : index
    %get3A_51 = arith.constant 0 : index
    %get3A_52 = vector.load %arg6[%get3A_50, %get3A_51] : memref<300x384xf32, #tpu.memory_space<vmem>>, vector<300x384xf32>
    %convert_element_type3A_53 = arith.truncf %get3A_52 : vector<300x384xf32> to vector<300x384xbf16>
    %get3A_54 = arith.constant 0 : index
    %get3A_55 = arith.constant 640 : index
    %get3A_56 = vector.load %arg17[%get3A_54, %get3A_55] : memref<300x2048xf32, #tpu.memory_space<vmem>>, vector<300x128xf32>
    %convert_element_type3A_57 = arith.truncf %get3A_56 : vector<300x128xf32> to vector<300x128xbf16>
    %dot_general3A_58 = arith.constant dense<0.000000e+00> : vector<384x128xf32>
    %dot_general3A_59 = tpu.matmul %convert_element_type3A_53, %convert_element_type3A_57, %dot_general3A_58 {dimension_numbers = #tpu.dot_dimension_numbers<[0], [0], [1], [1], [0, 1, 1, 1], [], []>, transpose_lhs_hint = false} : vector<300x384xbf16>, vector<300x128xbf16>, vector<384x128xf32> -> vector<384x128xf32>
    %add3A_60 = arith.addf %add3A_49, %dot_general3A_59 : vector<384x128xf32>
    %get3A_61 = arith.constant 0 : index
    %get3A_62 = arith.constant 0 : index
    %get3A_63 = vector.load %arg7[%get3A_61, %get3A_62] : memref<300x384xf32, #tpu.memory_space<vmem>>, vector<300x384xf32>
    %convert_element_type3A_64 = arith.truncf %get3A_63 : vector<300x384xf32> to vector<300x384xbf16>
    %get3A_65 = arith.constant 0 : index
    %get3A_66 = arith.constant 768 : index
    %get3A_67 = vector.load %arg17[%get3A_65, %get3A_66] : memref<300x2048xf32, #tpu.memory_space<vmem>>, vector<300x128xf32>
    %convert_element_type3A_68 = arith.truncf %get3A_67 : vector<300x128xf32> to vector<300x128xbf16>
    %dot_general3A_69 = arith.constant dense<0.000000e+00> : vector<384x128xf32>
    %dot_general3A_70 = tpu.matmul %convert_element_type3A_64, %convert_element_type3A_68, %dot_general3A_69 {dimension_numbers = #tpu.dot_dimension_numbers<[0], [0], [1], [1], [0, 1, 1, 1], [], []>, transpose_lhs_hint = false} : vector<300x384xbf16>, vector<300x128xbf16>, vector<384x128xf32> -> vector<384x128xf32>
    %add3A_71 = arith.addf %add3A_60, %dot_general3A_70 : vector<384x128xf32>
    %get3A_72 = arith.constant 0 : index
    %get3A_73 = arith.constant 0 : index
    %get3A_74 = vector.load %arg8[%get3A_72, %get3A_73] : memref<300x384xf32, #tpu.memory_space<vmem>>, vector<300x384xf32>
    %convert_element_type3A_75 = arith.truncf %get3A_74 : vector<300x384xf32> to vector<300x384xbf16>
    %get3A_76 = arith.constant 0 : index
    %get3A_77 = arith.constant 896 : index
    %get3A_78 = vector.load %arg17[%get3A_76, %get3A_77] : memref<300x2048xf32, #tpu.memory_space<vmem>>, vector<300x128xf32>
    %convert_element_type3A_79 = arith.truncf %get3A_78 : vector<300x128xf32> to vector<300x128xbf16>
    %dot_general3A_80 = arith.constant dense<0.000000e+00> : vector<384x128xf32>
    %dot_general3A_81 = tpu.matmul %convert_element_type3A_75, %convert_element_type3A_79, %dot_general3A_80 {dimension_numbers = #tpu.dot_dimension_numbers<[0], [0], [1], [1], [0, 1, 1, 1], [], []>, transpose_lhs_hint = false} : vector<300x384xbf16>, vector<300x128xbf16>, vector<384x128xf32> -> vector<384x128xf32>
    %add3A_82 = arith.addf %add3A_71, %dot_general3A_81 : vector<384x128xf32>
    %get3A_83 = arith.constant 0 : index
    %get3A_84 = arith.constant 0 : index
    %get3A_85 = vector.load %arg9[%get3A_83, %get3A_84] : memref<300x384xf32, #tpu.memory_space<vmem>>, vector<300x384xf32>
    %convert_element_type3A_86 = arith.truncf %get3A_85 : vector<300x384xf32> to vector<300x384xbf16>
    %get3A_87 = arith.constant 0 : index
    %get3A_88 = arith.constant 1024 : index
    %get3A_89 = vector.load %arg17[%get3A_87, %get3A_88] : memref<300x2048xf32, #tpu.memory_space<vmem>>, vector<300x128xf32>
    %convert_element_type3A_90 = arith.truncf %get3A_89 : vector<300x128xf32> to vector<300x128xbf16>
    %dot_general3A_91 = arith.constant dense<0.000000e+00> : vector<384x128xf32>
    %dot_general3A_92 = tpu.matmul %convert_element_type3A_86, %convert_element_type3A_90, %dot_general3A_91 {dimension_numbers = #tpu.dot_dimension_numbers<[0], [0], [1], [1], [0, 1, 1, 1], [], []>, transpose_lhs_hint = false} : vector<300x384xbf16>, vector<300x128xbf16>, vector<384x128xf32> -> vector<384x128xf32>
    %add3A_93 = arith.addf %add3A_82, %dot_general3A_92 : vector<384x128xf32>
    %get3A_94 = arith.constant 0 : index
    %get3A_95 = arith.constant 0 : index
    %get3A_96 = vector.load %arg10[%get3A_94, %get3A_95] : memref<300x384xf32, #tpu.memory_space<vmem>>, vector<300x384xf32>
    %convert_element_type3A_97 = arith.truncf %get3A_96 : vector<300x384xf32> to vector<300x384xbf16>
    %get3A_98 = arith.constant 0 : index
    %get3A_99 = arith.constant 1152 : index
    %get3A_100 = vector.load %arg17[%get3A_98, %get3A_99] : memref<300x2048xf32, #tpu.memory_space<vmem>>, vector<300x128xf32>
    %convert_element_type3A_101 = arith.truncf %get3A_100 : vector<300x128xf32> to vector<300x128xbf16>
    %dot_general3A_102 = arith.constant dense<0.000000e+00> : vector<384x128xf32>
    %dot_general3A_103 = tpu.matmul %convert_element_type3A_97, %convert_element_type3A_101, %dot_general3A_102 {dimension_numbers = #tpu.dot_dimension_numbers<[0], [0], [1], [1], [0, 1, 1, 1], [], []>, transpose_lhs_hint = false} : vector<300x384xbf16>, vector<300x128xbf16>, vector<384x128xf32> -> vector<384x128xf32>
    %add3A_104 = arith.addf %add3A_93, %dot_general3A_103 : vector<384x128xf32>
    %get3A_105 = arith.constant 0 : index
    %get3A_106 = arith.constant 0 : index
    %get3A_107 = vector.load %arg11[%get3A_105, %get3A_106] : memref<300x384xf32, #tpu.memory_space<vmem>>, vector<300x384xf32>
    %convert_element_type3A_108 = arith.truncf %get3A_107 : vector<300x384xf32> to vector<300x384xbf16>
    %get3A_109 = arith.constant 0 : index
    %get3A_110 = arith.constant 1280 : index
    %get3A_111 = vector.load %arg17[%get3A_109, %get3A_110] : memref<300x2048xf32, #tpu.memory_space<vmem>>, vector<300x128xf32>
    %convert_element_type3A_112 = arith.truncf %get3A_111 : vector<300x128xf32> to vector<300x128xbf16>
    %dot_general3A_113 = arith.constant dense<0.000000e+00> : vector<384x128xf32>
    %dot_general3A_114 = tpu.matmul %convert_element_type3A_108, %convert_element_type3A_112, %dot_general3A_113 {dimension_numbers = #tpu.dot_dimension_numbers<[0], [0], [1], [1], [0, 1, 1, 1], [], []>, transpose_lhs_hint = false} : vector<300x384xbf16>, vector<300x128xbf16>, vector<384x128xf32> -> vector<384x128xf32>
    %add3A_115 = arith.addf %add3A_104, %dot_general3A_114 : vector<384x128xf32>
    %get3A_116 = arith.constant 0 : index
    %get3A_117 = arith.constant 0 : index
    %get3A_118 = vector.load %arg12[%get3A_116, %get3A_117] : memref<300x384xf32, #tpu.memory_space<vmem>>, vector<300x384xf32>
    %convert_element_type3A_119 = arith.truncf %get3A_118 : vector<300x384xf32> to vector<300x384xbf16>
    %get3A_120 = arith.constant 0 : index
    %get3A_121 = arith.constant 1408 : index
    %get3A_122 = vector.load %arg17[%get3A_120, %get3A_121] : memref<300x2048xf32, #tpu.memory_space<vmem>>, vector<300x128xf32>
    %convert_element_type3A_123 = arith.truncf %get3A_122 : vector<300x128xf32> to vector<300x128xbf16>
    %dot_general3A_124 = arith.constant dense<0.000000e+00> : vector<384x128xf32>
    %dot_general3A_125 = tpu.matmul %convert_element_type3A_119, %convert_element_type3A_123, %dot_general3A_124 {dimension_numbers = #tpu.dot_dimension_numbers<[0], [0], [1], [1], [0, 1, 1, 1], [], []>, transpose_lhs_hint = false} : vector<300x384xbf16>, vector<300x128xbf16>, vector<384x128xf32> -> vector<384x128xf32>
    %add3A_126 = arith.addf %add3A_115, %dot_general3A_125 : vector<384x128xf32>
    %get3A_127 = arith.constant 0 : index
    %get3A_128 = arith.constant 0 : index
    %get3A_129 = vector.load %arg13[%get3A_127, %get3A_128] : memref<300x384xf32, #tpu.memory_space<vmem>>, vector<300x384xf32>
    %convert_element_type3A_130 = arith.truncf %get3A_129 : vector<300x384xf32> to vector<300x384xbf16>
    %get3A_131 = arith.constant 0 : index
    %get3A_132 = arith.constant 1536 : index
    %get3A_133 = vector.load %arg17[%get3A_131, %get3A_132] : memref<300x2048xf32, #tpu.memory_space<vmem>>, vector<300x128xf32>
    %convert_element_type3A_134 = arith.truncf %get3A_133 : vector<300x128xf32> to vector<300x128xbf16>
    %dot_general3A_135 = arith.constant dense<0.000000e+00> : vector<384x128xf32>
    %dot_general3A_136 = tpu.matmul %convert_element_type3A_130, %convert_element_type3A_134, %dot_general3A_135 {dimension_numbers = #tpu.dot_dimension_numbers<[0], [0], [1], [1], [0, 1, 1, 1], [], []>, transpose_lhs_hint = false} : vector<300x384xbf16>, vector<300x128xbf16>, vector<384x128xf32> -> vector<384x128xf32>
    %add3A_137 = arith.addf %add3A_126, %dot_general3A_136 : vector<384x128xf32>
    %get3A_138 = arith.constant 0 : index
    %get3A_139 = arith.constant 0 : index
    %get3A_140 = vector.load %arg14[%get3A_138, %get3A_139] : memref<300x384xf32, #tpu.memory_space<vmem>>, vector<300x384xf32>
    %convert_element_type3A_141 = arith.truncf %get3A_140 : vector<300x384xf32> to vector<300x384xbf16>
    %get3A_142 = arith.constant 0 : index
    %get3A_143 = arith.constant 1664 : index
    %get3A_144 = vector.load %arg17[%get3A_142, %get3A_143] : memref<300x2048xf32, #tpu.memory_space<vmem>>, vector<300x128xf32>
    %convert_element_type3A_145 = arith.truncf %get3A_144 : vector<300x128xf32> to vector<300x128xbf16>
    %dot_general3A_146 = arith.constant dense<0.000000e+00> : vector<384x128xf32>
    %dot_general3A_147 = tpu.matmul %convert_element_type3A_141, %convert_element_type3A_145, %dot_general3A_146 {dimension_numbers = #tpu.dot_dimension_numbers<[0], [0], [1], [1], [0, 1, 1, 1], [], []>, transpose_lhs_hint = false} : vector<300x384xbf16>, vector<300x128xbf16>, vector<384x128xf32> -> vector<384x128xf32>
    %add3A_148 = arith.addf %add3A_137, %dot_general3A_147 : vector<384x128xf32>
    %get3A_149 = arith.constant 0 : index
    %get3A_150 = arith.constant 0 : index
    %get3A_151 = vector.load %arg15[%get3A_149, %get3A_150] : memref<300x384xf32, #tpu.memory_space<vmem>>, vector<300x384xf32>
    %convert_element_type3A_152 = arith.truncf %get3A_151 : vector<300x384xf32> to vector<300x384xbf16>
    %get3A_153 = arith.constant 0 : index
    %get3A_154 = arith.constant 1792 : index
    %get3A_155 = vector.load %arg17[%get3A_153, %get3A_154] : memref<300x2048xf32, #tpu.memory_space<vmem>>, vector<300x128xf32>
    %convert_element_type3A_156 = arith.truncf %get3A_155 : vector<300x128xf32> to vector<300x128xbf16>
    %dot_general3A_157 = arith.constant dense<0.000000e+00> : vector<384x128xf32>
    %dot_general3A_158 = tpu.matmul %convert_element_type3A_152, %convert_element_type3A_156, %dot_general3A_157 {dimension_numbers = #tpu.dot_dimension_numbers<[0], [0], [1], [1], [0, 1, 1, 1], [], []>, transpose_lhs_hint = false} : vector<300x384xbf16>, vector<300x128xbf16>, vector<384x128xf32> -> vector<384x128xf32>
    %add3A_159 = arith.addf %add3A_148, %dot_general3A_158 : vector<384x128xf32>
    %get3A_160 = arith.constant 0 : index
    %get3A_161 = arith.constant 0 : index
    %get3A_162 = vector.load %arg16[%get3A_160, %get3A_161] : memref<300x384xf32, #tpu.memory_space<vmem>>, vector<300x384xf32>
    %convert_element_type3A_163 = arith.truncf %get3A_162 : vector<300x384xf32> to vector<300x384xbf16>
    %get3A_164 = arith.constant 0 : index
    %get3A_165 = arith.constant 1920 : index
    %get3A_166 = vector.load %arg17[%get3A_164, %get3A_165] : memref<300x2048xf32, #tpu.memory_space<vmem>>, vector<300x128xf32>
    %convert_element_type3A_167 = arith.truncf %get3A_166 : vector<300x128xf32> to vector<300x128xbf16>
    %dot_general3A_168 = arith.constant dense<0.000000e+00> : vector<384x128xf32>
    %dot_general3A_169 = tpu.matmul %convert_element_type3A_163, %convert_element_type3A_167, %dot_general3A_168 {dimension_numbers = #tpu.dot_dimension_numbers<[0], [0], [1], [1], [0, 1, 1, 1], [], []>, transpose_lhs_hint = false} : vector<300x384xbf16>, vector<300x128xbf16>, vector<384x128xf32> -> vector<384x128xf32>
    %add3A_170 = arith.addf %add3A_159, %dot_general3A_169 : vector<384x128xf32>
    %swap3A = arith.constant 0 : index
    %swap3A_171 = arith.constant 0 : index
    %swap3A_172 = vector.load %arg18[%swap3A, %swap3A_171] : memref<384x128xf32, #tpu.memory_space<vmem>>, vector<384x128xf32>
    tpu.vector_store %arg18[%swap3A, %swap3A_171], %add3A_170 {strides = array<i32>} : memref<384x128xf32, #tpu.memory_space<vmem>>, vector<384x128xf32>,
    return
  }
  func.func @transform_0(%arg0: i32) -> (i32, i32) {
    %add3A = arith.constant 0 : i32
    %add3A_0 = arith.addi %add3A, %arg0 : i32
    %min3A = arith.constant 2604 : i32
    %min3A_1 = arith.minsi %add3A_0, %min3A : i32
    %c0_i32 = arith.constant 0 : i32
    %c0_i32_2 = arith.constant 0 : i32
    return %c0_i32, %min3A_1 : i32, i32
  }
  func.func @transform_1(%arg0: i32) -> (i32, i32) {
    %add3A = arith.constant 163 : i32
    %add3A_0 = arith.addi %add3A, %arg0 : i32
    %min3A = arith.constant 2604 : i32
    %min3A_1 = arith.minsi %add3A_0, %min3A : i32
    %c0_i32 = arith.constant 0 : i32
    %c0_i32_2 = arith.constant 0 : i32
    return %c0_i32, %min3A_1 : i32, i32
  }
  func.func @transform_2(%arg0: i32) -> (i32, i32) {
    %add3A = arith.constant 326 : i32
    %add3A_0 = arith.addi %add3A, %arg0 : i32
    %min3A = arith.constant 2604 : i32
    %min3A_1 = arith.minsi %add3A_0, %min3A : i32
    %c0_i32 = arith.constant 0 : i32
    %c0_i32_2 = arith.constant 0 : i32
    return %c0_i32, %min3A_1 : i32, i32
  }
  func.func @transform_3(%arg0: i32) -> (i32, i32) {
    %add3A = arith.constant 489 : i32
    %add3A_0 = arith.addi %add3A, %arg0 : i32
    %min3A = arith.constant 2604 : i32
    %min3A_1 = arith.minsi %add3A_0, %min3A : i32
    %c0_i32 = arith.constant 0 : i32
    %c0_i32_2 = arith.constant 0 : i32
    return %c0_i32, %min3A_1 : i32, i32
  }
  func.func @transform_4(%arg0: i32) -> (i32, i32) {
    %add3A = arith.constant 652 : i32
    %add3A_0 = arith.addi %add3A, %arg0 : i32
    %min3A = arith.constant 2604 : i32
    %min3A_1 = arith.minsi %add3A_0, %min3A : i32
    %c0_i32 = arith.constant 0 : i32
    %c0_i32_2 = arith.constant 0 : i32
    return %c0_i32, %min3A_1 : i32, i32
  }
  func.func @transform_5(%arg0: i32) -> (i32, i32) {
    %add3A = arith.constant 815 : i32
    %add3A_0 = arith.addi %add3A, %arg0 : i32
    %min3A = arith.constant 2604 : i32
    %min3A_1 = arith.minsi %add3A_0, %min3A : i32
    %c0_i32 = arith.constant 0 : i32
    %c0_i32_2 = arith.constant 0 : i32
    return %c0_i32, %min3A_1 : i32, i32
  }
  func.func @transform_6(%arg0: i32) -> (i32, i32) {
    %add3A = arith.constant 978 : i32
    %add3A_0 = arith.addi %add3A, %arg0 : i32
    %min3A = arith.constant 2604 : i32
    %min3A_1 = arith.minsi %add3A_0, %min3A : i32
    %c0_i32 = arith.constant 0 : i32
    %c0_i32_2 = arith.constant 0 : i32
    return %c0_i32, %min3A_1 : i32, i32
  }
  func.func @transform_7(%arg0: i32) -> (i32, i32) {
    %add3A = arith.constant 1141 : i32
    %add3A_0 = arith.addi %add3A, %arg0 : i32
    %min3A = arith.constant 2604 : i32
    %min3A_1 = arith.minsi %add3A_0, %min3A : i32
    %c0_i32 = arith.constant 0 : i32
    %c0_i32_2 = arith.constant 0 : i32
    return %c0_i32, %min3A_1 : i32, i32
  }
  func.func @transform_8(%arg0: i32) -> (i32, i32) {
    %add3A = arith.constant 1304 : i32
    %add3A_0 = arith.addi %add3A, %arg0 : i32
    %min3A = arith.constant 2604 : i32
    %min3A_1 = arith.minsi %add3A_0, %min3A : i32
    %c0_i32 = arith.constant 0 : i32
    %c0_i32_2 = arith.constant 0 : i32
    return %c0_i32, %min3A_1 : i32, i32
  }
  func.func @transform_9(%arg0: i32) -> (i32, i32) {
    %add3A = arith.constant 1467 : i32
    %add3A_0 = arith.addi %add3A, %arg0 : i32
    %min3A = arith.constant 2604 : i32
    %min3A_1 = arith.minsi %add3A_0, %min3A : i32
    %c0_i32 = arith.constant 0 : i32
    %c0_i32_2 = arith.constant 0 : i32
    return %c0_i32, %min3A_1 : i32, i32
  }
  func.func @transform_10(%arg0: i32) -> (i32, i32) {
    %add3A = arith.constant 1630 : i32
    %add3A_0 = arith.addi %add3A, %arg0 : i32
    %min3A = arith.constant 2604 : i32
    %min3A_1 = arith.minsi %add3A_0, %min3A : i32
    %c0_i32 = arith.constant 0 : i32
    %c0_i32_2 = arith.constant 0 : i32
    return %c0_i32, %min3A_1 : i32, i32
  }
  func.func @transform_11(%arg0: i32) -> (i32, i32) {
    %add3A = arith.constant 1793 : i32
    %add3A_0 = arith.addi %add3A, %arg0 : i32
    %min3A = arith.constant 2604 : i32
    %min3A_1 = arith.minsi %add3A_0, %min3A : i32
    %c0_i32 = arith.constant 0 : i32
    %c0_i32_2 = arith.constant 0 : i32
    return %c0_i32, %min3A_1 : i32, i32
  }
  func.func @transform_12(%arg0: i32) -> (i32, i32) {
    %add3A = arith.constant 1956 : i32
    %add3A_0 = arith.addi %add3A, %arg0 : i32
    %min3A = arith.constant 2604 : i32
    %min3A_1 = arith.minsi %add3A_0, %min3A : i32
    %c0_i32 = arith.constant 0 : i32
    %c0_i32_2 = arith.constant 0 : i32
    return %c0_i32, %min3A_1 : i32, i32
  }
  func.func @transform_13(%arg0: i32) -> (i32, i32) {
    %add3A = arith.constant 2119 : i32
    %add3A_0 = arith.addi %add3A, %arg0 : i32
    %min3A = arith.constant 2604 : i32
    %min3A_1 = arith.minsi %add3A_0, %min3A : i32
    %c0_i32 = arith.constant 0 : i32
    %c0_i32_2 = arith.constant 0 : i32
    return %c0_i32, %min3A_1 : i32, i32
  }
  func.func @transform_14(%arg0: i32) -> (i32, i32) {
    %add3A = arith.constant 2282 : i32
    %add3A_0 = arith.addi %add3A, %arg0 : i32
    %min3A = arith.constant 2604 : i32
    %min3A_1 = arith.minsi %add3A_0, %min3A : i32
    %c0_i32 = arith.constant 0 : i32
    %c0_i32_2 = arith.constant 0 : i32
    return %c0_i32, %min3A_1 : i32, i32
  }
  func.func @transform_15(%arg0: i32) -> (i32, i32) {
    %add3A = arith.constant 2445 : i32
    %add3A_0 = arith.addi %add3A, %arg0 : i32
    %min3A = arith.constant 2604 : i32
    %min3A_1 = arith.minsi %add3A_0, %min3A : i32
    %c0_i32 = arith.constant 0 : i32
    %c0_i32_2 = arith.constant 0 : i32
    return %c0_i32, %min3A_1 : i32, i32
  }
  func.func @transform_16(%arg0: i32) -> (i32, i32) {
    %c0_i32 = arith.constant 0 : i32
    %c0_i32_0 = arith.constant 0 : i32
    %c0_i32_1 = arith.constant 0 : i32
    return %c0_i32, %c0_i32_0 : i32, i32
  }
  func.func @transform_17(%arg0: i32) -> (i32, i32) {
    %c0_i32 = arith.constant 0 : i32
    %c0_i32_0 = arith.constant 0 : i32
    return %arg0, %c0_i32 : i32, i32
  }
}

</mosaic_0001>

<sc_bundles>
// kernel: kernel.4.cloned.1.call-start
scs
__scs_entry_jumppad:
0x0: {  	(pc) =	sbr.rel $0x88, $3  }
0x1: {  	(tag) =	ssettag $0x0;
	lr =	simm.s32 $0x1  }
0x2: {  	[smem:$0x3F9D] =	sst lr;
	_ =	strace $0xD0000000  }
0x3: {  	_ = 	snop  }
0x4: {  	_ = 	snop  }
0x5: {  	_ = 	snop  }
0x6: {  	_ = 	snop  }
0x7: {  	_ = 	snop  }
__scs_overlays_trampoline_lowered:
0x8: {  	[smem:$0x3FAC] =	sst s0  }
0x9: {  	[smem:$0x3FAD] =	sst s1  }
0xa: {  	[smem:$0x3FAE] =	sst s2  }
0xb: {  	[smem:$0x3FAF] =	sst s3  }
0xc: {  	[smem:$0x3FB0] =	sst s4  }
0xd: {  	[smem:$0x3FB1] =	sst s5  }
0xe: {  	[smem:$0x3FB2] =	sst s6  }
0xf: {  	[smem:$0x3FB3] =	sst s7  }
0x10: {  	[smem:$0x3FB4] =	sst s8  }
0x11: {  	[smem:$0x3FB5] =	sst s9;
	s0 =	simm.s32 @!p0 $0x0  }
0x12: {  	s1 =	sld [smem:$0x3F9B];
	s0 =	simm.s32 @p0 $0x1  }
0x13: {  	[smem:$0x3FB6] =	sst s0;
	s0 =	simm.s32 @!p1 $0x0  }
0x14: {  	s2 =	sld [smem:$0x3F9A];
	s0 =	simm.s32 @p1 $0x1  }
0x15: {  	[smem:$0x3FB7] =	sst s0;
	s0 =	simm.s32 @!p2 $0x0  }
0x16: {  	s3 =	sld [smem:$0x3FDB];
	s0 =	simm.s32 @p2 $0x1  }
0x17: {  	s4 =	simm.s32 $0x1BF5;
	[smem:$0x3FB9] =	sst s0  }
0x18: {  	s0 =	sld [smem:$0x3F9C];
	_ =	swait.ge [sflag:s4], $0x0  }
0x19: {  	s7 =	sld [smem:$0x3F9D]  }
0x1a: {  	s8 =	sadd.s32 $0xFFFFE003, lr  }
0x1b: {  	s9 =	sadd.s32 $0xFFFFFEF7, lr;
	s5 =	simm.s32 $0xFFFFFFFF;
	p2 =	slt.u32 s8, $0xFFFFF086  }
0x1c: {  	p1 =	slt.u32 s9, $0xF7A;
	s5 =	simm.s32 @!p2 $0x0  }
0x1d: {  	s5 =	simm.s32 @p1 $0x1;
	p0 =	seq.s32 s7, s2  }
0x1e: {  	s7 =	smul.u32 @!p0 $0xF7A, s2;
	p2 =	seq.s32 @!p0 s5, $0x0  }
0x1f: {  	s9 =	smul.u32 $0xF7A, s1;
	s8 =	simm.s32 @!p0 $0x1BF5;
	p2 =	por !p2, p0  }
0x20: {  	[sflag:s8] =	ssyncset.s32 @!p0 $0xFFFFF086;
	s6 =	sadd.s32 @!p0 s3, s7;
	s7 =	simm.s32 @!p0 $0x108  }
0x21: {  	s3 =	sadd.s32 s3, s9;
	s6 =	sadd.s32 @!p0 $0x88, s6;
	s7 =	simm.s32 @p2 $0x1082  }
0x22: {  	[simem:s7], [sflag:s8] =	dma.local @!p0 [hbm:s6], $0xF7A  }
0x23: {  	s9 =	sor.u32 $0xD0000000, s2;
	s6 =	simm.s32 $0x108;
	_ =	swait.ge @!p0 [sflag:s8], $0x0  }
0x24: {  	s3 =	sadd.s32 $0x88, s3;
	s6 =	simm.s32 @!p1 $0x1082;
	[sflag:s4] =	ssyncset.s32 $0xFFFFF086  }
0x25: {  	[simem:s6], [sflag:s4] =	dma.local [hbm:s3], $0xF7A  }
0x26: {  	[smem:$0x3F9D] =	sst s1;
	(tag) =	ssettag s2;
	_ =	strace s9  }
0x27: {  	s1 =	sld [smem:$0x3FAD]  }
0x28: {  	s2 =	sld [smem:$0x3FAE]  }
0x29: {  	s4 =	sld [smem:$0x3FB0]  }
0x2a: {  	p0 =	seq.s32 s5, $0x0;
	s5 =	sld [smem:$0x3FB1]  }
0x2b: {  	s6 =	sld [smem:$0x3FB2]  }
0x2c: {  	s7 =	sld [smem:$0x3FB3]  }
0x2d: {  	s3 =	simm.s32 $0x108;
	s8 =	sld [smem:$0x3FB4]  }
0x2e: {  	s3 =	simm.s32 @!p0 $0x1082;
	s9 =	sld [smem:$0x3FB5]  }
0x2f: {  	lr =	sadd.s32 s0, s3;
	s0 =	sld [smem:$0x3FAC]  }
0x30: {  	s3 =	sld [smem:$0x3FAF]  }
0x31: {  	[smem:$0x3FB8] =	sst s10  }
0x32: {  	s10 =	sld [smem:$0x3FB6];
	_ =	sdelay $0x3  }
0x33: {  	p0 =	seq.s32 s10, $0x1;
	s10 =	sld [smem:$0x3FB8];
	_ =	sdelay $0x3  }
0x34: {  	[smem:$0x3FB8] =	sst s10  }
0x35: {  	s10 =	sld [smem:$0x3FB7];
	_ =	sdelay $0x3  }
0x36: {  	p1 =	seq.s32 s10, $0x1;
	s10 =	sld [smem:$0x3FB8];
	_ =	sdelay $0x3  }
0x37: {  	[smem:$0x3FB8] =	sst s10  }
0x38: {  	s10 =	sld [smem:$0x3FB9]  }
0x39: {  	_ = 	snop;
	(pc) =	sbr.ind lr, $3  }
0x3a: {  	_ = 	snop  }
0x3b: {  	_ = 	snop  }
0x3c: {  	p2 =	seq.s32 s10, $0x1;
	s10 =	sld [smem:$0x3FB8]  }
0x3d: {  	_ =	shalt  }
0x3e: {  	_ =	shalt  }
0x3f: {  	_ =	shalt  }
0x40: {  	_ =	shalt  }
0x41: {  	_ =	shalt  }
0x42: {  	_ =	shalt  }
0x43: {  	_ =	shalt  }
0x44: {  	_ =	shalt  }
0x45: {  	_ =	shalt  }
0x46: {  	_ =	shalt  }
0x47: {  	_ =	shalt  }
0x48: {  	_ =	shalt  }
0x49: {  	_ =	shalt  }
0x4a: {  	_ =	shalt  }
0x4b: {  	_ =	shalt  }
0x4c: {  	_ =	shalt  }
0x4d: {  	_ =	shalt  }
0x4e: {  	_ =	shalt  }
0x4f: {  	_ =	shalt  }
0x50: {  	_ =	shalt  }
0x51: {  	_ =	shalt  }
0x52: {  	_ =	shalt  }
0x53: {  	_ =	shalt  }
0x54: {  	_ =	shalt  }
0x55: {  	_ =	shalt  }
0x56: {  	_ =	shalt  }
0x57: {  	_ =	shalt  }
0x58: {  	_ =	shalt  }
0x59: {  	_ =	shalt  }
0x5a: {  	_ =	shalt  }
0x5b: {  	_ =	shalt  }
0x5c: {  	_ =	shalt  }
0x5d: {  	_ =	shalt  }
0x5e: {  	_ =	shalt  }
0x5f: {  	_ =	shalt  }
0x60: {  	_ =	shalt  }
0x61: {  	_ =	shalt  }
0x62: {  	_ =	shalt  }
0x63: {  	_ =	shalt  }
0x64: {  	_ =	shalt  }
0x65: {  	_ =	shalt  }
0x66: {  	_ =	shalt  }
0x67: {  	_ =	shalt  }
0x68: {  	_ =	shalt  }
0x69: {  	_ =	shalt  }
0x6a: {  	_ =	shalt  }
0x6b: {  	_ =	shalt  }
0x6c: {  	_ =	shalt  }
0x6d: {  	_ =	shalt  }
0x6e: {  	_ =	shalt  }
0x6f: {  	_ =	shalt  }
0x70: {  	_ =	shalt  }
0x71: {  	_ =	shalt  }
0x72: {  	_ =	shalt  }
0x73: {  	_ =	shalt  }
0x74: {  	_ =	shalt  }
0x75: {  	_ =	shalt  }
0x76: {  	_ =	shalt  }
0x77: {  	_ =	shalt  }
0x78: {  	_ =	shalt  }
0x79: {  	_ =	shalt  }
0x7a: {  	_ =	shalt  }
0x7b: {  	_ =	shalt  }
0x7c: {  	_ =	shalt  }
0x7d: {  	_ =	shalt  }
0x7e: {  	_ =	shalt  }
0x7f: {  	_ =	shalt  }
0x80: {  	_ =	shalt  }
0x81: {  	_ =	shalt  }
0x82: {  	_ =	shalt  }
0x83: {  	_ =	shalt  }
0x84: {  	_ =	shalt  }
0x85: {  	_ =	shalt  }
0x86: {  	_ =	shalt  }
0x87: {  	_ =	shalt  }
.Lfunc_end0:
.L_simem_size_0:
called_computation_lowered:
.L_overlay_start_0:
0x88: {  	s2 =	sld [smem:$0x3FD9]  }
0x89: {  	s3 =	sld [smem:$0x3FFE];
	_ =	sdelay $0x1  }
0x8a: {  	s1 =	srdreg.scid  }
0x8b: {  	s0 =	sand.u32 $0x1, s1  }
0x8c: {  	s17 =	sshll.u32 s0, $0xA;
	s2 =	sadd.s32 s3, s2  }
0x8d: {  	s2 =	sadd.s32 s2, s17  }
0x8e: {  	[smem:$0x3FC4] =	sst s2  }
0x8f: {  	_ = 	snop  }
0x90: {  	s2 =	sld [smem:$0x3FD0];
	(tm) =	ssettm $0x1  }
0x91: {  	s18 =	sld [smem:$0x3FFB];
	_ =	sdelay $0x3  }
0x92: {  	_ =	strace s18  }
0x93: {  	s3 =	sld [smem:$0x3FFC];
	_ =	sdelay $0x3  }
0x94: {  	_ =	strace s3  }
0x95: {  	s3 =	sld [smem:$0x3FFD];
	_ =	sdelay $0x3  }
0x96: {  	_ =	strace s3  }
0x97: {  	_ =	strace $0x8FFFFFFF  }
0x98: {  	s19 =	sld [smem:$0x3FDB];
	_ =	sdelay $0x1  }
0x99: {  	s4 =	simm.s32 $_scs_section_size  }
0x9a: {  	s5 =	simm.s32 $_size__tile_overlayer_lowered;
	s6 =	simm.s32 $_tile_overlayer_lowered  }
0x9b: {  	s22 =	simm.s32 $0x1BFF;
	s21 =	sshll.u32 s6, $0x1;
	s3 =	sadd.s32 s4, s19  }
0x9c: {  	s7 =	simm.s32 $0x0;
	s20 =	sshll.u32 s5, $0x1;
	s5 =	sadd.s32 s21, s3  }
0x9d: {  	[timem:s7], [sflag:s22] =	dma.local [hbm:s5], s20  }
0x9e: {  	_ =	swait.ge [sflag:s22], s20  }
0x9f: {  	s4 =	ssub.s32 $0x0, s20;
	[sflag:s22] =	ssyncset.done $0x0  }
0xa0: {  	[sflag:s22] =	ssyncadd.s32 s4;
	_ =	sdelay $0x1  }
0xa1: {  	s23 =	simm.s32 $0x1B8B  }
0xa2: {  	_ =	swait.ge [sflag:s23], $0x1  }
0xa3: {  	[sflag:s23] =	ssyncset.done $0x0  }
0xa4: {  	s25 =	simm.s32 $0x1B8E;
	s24 =	sld [smem:$0x3FFE];
	[sflag:s23] =	ssyncadd.s32 $0xFFFFFFFF  }
0xa5: {  	s26 =	simm.s32 $execute0_lowered;
	[smem:$0x3FD2] =	sst s25  }
0xa6: {  	s5 =	sshll.u32 s26, $0x1;
	_ =	strace $0x80000046;
	[dreg:$0x1] =	wrdreg $0xFFFFFFFF  }
0xa7: {  	s28 =	simm.s32 $_size_execute0_lowered;
	s3 =	sadd.s32 s3, s5;
	[dreg:$0x0] =	wrdreg $0x0  }
0xa8: {  	s5 =	sshll.u32 s28, $0x1;
	[dreg:$0x2] =	wrdreg s3  }
0xa9: {  	[dreg:$0x3] =	wrdreg s5  }
0xaa: {  	[dreg:$0x4] =	wrdreg $0xC0  }
0xab: {  	_ =	task [dreg:s7], $0x5FFFF  }
0xac: {  	[dreg:$0x1] =	wrdreg $0xFFFFFFFF  }
0xad: {  	[dreg:$0x0] =	wrdreg $0x60  }
0xae: {  	[dreg:$0x2] =	wrdreg s24  }
0xaf: {  	[dreg:$0x3] =	wrdreg s2  }
0xb0: {  	[dreg:$0x4] =	wrdreg $0x9  }
0xb1: {  	_ =	task.clear_ibuf [dreg:s7], $0x5FFFF;
	_ =	strace $0x90000046  }
0xb2: {  	s29 =	simm.s32 $0x9;
	_ =	strace $0x80000048  }
0xb3: {  	_ =	swait.ge [sflag:s29], $0x1  }
0xb4: {  	[sflag:s29] =	ssyncadd.s32 $0xFFFFFFFF  }
0xb5: {  	_ =	strace $0x90000048  }
0xb6: {  	_ =	sfence  }
0xb7: {  	s30 =	sld [smem:$0x0];
	_ =	sdelay $0x2  }
0xb8: {  	s31 =	sshll.u32 s1, $0xD;
	s1 =	sshrl.u32 s1, $0x2  }
0xb9: {  	s3 =	sand.u32 $0x4000, s31;
	s1 =	sadd.s32 s1, s30  }
0xba: {  	s0 =	sor.u32 s3, s0;
	s1 =	sshll.u32 s1, $0x11  }
0xbb: {  	s0 =	sor.u32 s1, s0  }
0xbc: {  	s0 =	sadd.s32 $0x8F2B, s0  }
0xbd: {  	[sflag:s0] =	ssyncadd.remote.s32 $0x1  }
0xbe: {  	_ =	sfence.sel $0xFFFF  }
0xbf: {  	[dreg:$0x0] =	wrdreg $0xFFFFFFFF;
	(pc) =	sbr.abs _section_cstart, $3  }
0xc0: {  	[dreg:$0x1] =	wrdreg $0xFFFFFFFF  }
0xc1: {  	_ =	task.clear_ibuf [dreg:s7], $0x2FFFF;
	_ =	strace $0x9FFFFFFF  }
0xc2: {  	(tm) =	ssettm $0x7FFFFFFF  }
0xc3: {  	_ =	shalt  }
tec
execute0_lowered:
.L_overlay_start_1:
0x0: {  	(tag) =	ssettag $0x1  }
0x1: {  	s4 =	rddreg [dreg:$0x0];
	s1 =	srdreg.scid  }
0x2: {  	s0 =	stileid.u32;
	s12 =	rddreg [dreg:$0x1]  }
0x3: {  	s2 =	simm.s32 $0x0;
	s7 =	simm.s32 $0x1900;
	s8 =	simm.s32 $0xFA00  }
0x4: {  	s15 =	simm.s32 $0x60;
	s16 =	simm.s32 $0xFD80;
	s17 =	simm.s32 $0x6600  }
0x5: {  	v0 =	vimm.s32 $0x23222120;
	s18 =	simm.s32 $0xFE00;
	s19 =	simm.s32 $0x9600;
	s20 =	simm.s32 $0xFE80  }
0x6: {  	v1 =	vimm.s32 $0x33323130;
	v2 =	vimm.s32 $0x3020100;
	s21 =	simm.s32 $0xCA00;
	s22 =	simm.s32 $0x1;
	s23 =	simm.s32 $0xFC80  }
0x7: {  	v3 =	vimm.s32 $0x13121110;
	v4 =	vimm.s32 $0x2B2A2928;
	s24 =	simm.s32 $0x2;
	s25 =	simm.s32 $0xFA80;
	s26 =	simm.s32 $0x0  }
0x8: {  	vm0 =	vcmask $0x1F10;
	v5 =	vimm.s32 $0x3B3A3938;
	v6 =	vimm.s32 $0xB0A0908;
	s5 =	sand.u32 $0x1, s1;
	s3 =	sshll.u32 s0, $0x1;
	[smem:$0x7FF] =	sst s2  }
0x9: {  	v7 =	vimm.s32 $0x1B1A1918;
	v0 =	vunpack.c.0.s8.s32 v0;
	v1 =	vunpack.c.0.s8.s32 v1;
	s9 =	sor.u32 s5, s3;
	_ =	strace $0x80000047;
	s10 =	ssub.s32 $0x2, s5  }
0xa: {  	v2 =	vunpack.c.0.s8.s32 v2;
	v3 =	vunpack.c.0.s8.s32 v3;
	v4 =	vunpack.c.0.s8.s32 v4;
	s3 =	smul.u32 $0x320, s9;
	s11 =	sshrl.u32 s10, $0x1;
	s14 =	sshll.u32 s9, $0x6  }
0xb: {  	v5 =	vunpack.c.0.s8.s32 v5;
	v6 =	vunpack.c.0.s8.s32 v6;
	v7 =	vunpack.c.0.s8.s32 v7;
	s9 =	simm.s32 $0x68;
	s13 =	ssub.s32 s10, s11;
	s10 =	simm.s32 $0xFD00  }
0xc: {  	v8 =	vsel vm0, v1, v0;
	v2 =	vsel vm0, v3, v2;
	v1 =	vlaneseq.u32;
	s11 =	simm.s32 $0x3200;
	s12 =	sadd.s32 s12, s14;
	s14 =	simm.s32 $0x3  }
0xd: {  	v3 =	vsel vm0, v5, v4;
	v4 =	vsel vm0, v7, v6;
	v0 =	vshrl.u32 v1, $0x3;
	s6 =	sadd.s32 s3, s4;
	s3 =	sadd.s32 $0xD400, s4;
	s4 =	sadd.s32 $0xD200, s4  }
0xe: {  	v1 =	vand.u32 $0x7, v1;
	v2 =	vcombine.low v2, v8;
	v3 =	vcombine.low v4, v3;
	s13 =	smax.u32 s13, $0x1;
	s5 =	sadd.s32 $0x6E00, s6;
	s6 =	sadd.s32 $0xA00, s6  }
.LBB2_1:
0xf: {  	[tilespmem:s2], [sflag:$0x3] =	stream.linear.gather [hbm4b:s5+s2], $0x1900, $0x38;
	[tilespmem:$0xFF00] =	vst v63  }
0x10: {  	_ =	swait.ge [sflag:s14], $0x1900  }
0x11: {  	[sflag:s14] =	ssyncset.done $0x0  }
0x12: {  	[sflag:s14] =	ssyncadd.s32 $0xFFFFE700  }
0x13: {  	[tilespmem:s7], [sflag:$0x3] =	stream.linear.gather [hbm4b:s6+s2], $0x1900, $0x38;
	[tilespmem:$0xFF00] =	vst v63  }
0x14: {  	_ =	swait.ge [sflag:s14], $0x1900  }
0x15: {  	[sflag:s14] =	ssyncset.done $0x0  }
0x16: {  	[sflag:s14] =	ssyncadd.s32 $0xFFFFE700  }
0x17: {  	[tilespmem:s8], [sflag:$0x3] =	stream.linear.gather [hbm4b:s4+s2], $0x80, $0x38;
	[tilespmem:$0xFF00] =	vst v63  }
0x18: {  	_ =	swait.ge [sflag:s14], $0x80  }
0x19: {  	[sflag:s14] =	ssyncset.done $0x0  }
0x1a: {  	[sflag:s14] =	ssyncadd.s32 $0xFFFFFF80  }
0x1b: {  	v4 =	vld [tilespmem:$0x0]  }
0x1c: {  	v5 =	vld [tilespmem:$0x10]  }
0x1d: {  	v6 =	vld [tilespmem:$0x20]  }
0x1e: {  	v7 =	vld [tilespmem:$0x30]  }
0x1f: {  	v8 =	vld [tilespmem:$0x40]  }
0x20: {  	v53 =	vld [tilespmem:$0x68];
	[tilespmem:$0xFD00] =	vst v4  }
0x21: {  	v4 =	vld [tilespmem:$0x50];
	[tilespmem:$0xFD10] =	vst v5  }
0x22: {  	v5 =	vld [tilespmem:$0x58];
	[tilespmem:$0xFD20] =	vst v6  }
0x23: {  	v54 =	vld [tilespmem:$0x78];
	[tilespmem:$0xFD30] =	vst v7  }
0x24: {  	v55 =	vld [tilespmem:$0x88];
	[tilespmem:$0xFD40] =	vst v8  }
0x25: {  	v56 =	vld [tilespmem:$0xB8];
	[tilespmem:$0xFD80] =	vst v53  }
0x26: {  	[tilespmem:$0xFD50] =	vst v4;
	v4 =	vld [tilespmem:$0x98]  }
0x27: {  	[tilespmem:$0xFD58] =	vst v5;
	v5 =	vld [tilespmem:$0xA8]  }
0x28: {  	[tilespmem:$0xFD90] =	vst v54  }
0x29: {  	[tilespmem:$0xFDA0] =	vst v55  }
0x2a: {  	[tilespmem:$0xFDD0] =	vst v56  }
0x2b: {  	[tilespmem:$0xFDB0] =	vst v4  }
0x2c: {  	[tilespmem:$0xFDC0] =	vst v5  }
0x2d: {  	[tilespmem:s11], [sflag:$0x1] =	stream.indirect.gather [hbm4b:s3+s9], $0x80, s10, s9, $0xb8;
	[tilespmem:$0xFF00] =	vst v63  }
0x2e: {  	_ = 	snop  }
0x2f: {  	[tilespmem:s17], [sflag:$0x1] =	stream.indirect.gather [hbm4b:s3+s15], $0x80, s16, s15, $0xb8;
	[tilespmem:$0xFF00] =	vst v63  }
0x30: {  	v4 =	vld [tilespmem:$0xC8]  }
0x31: {  	v5 =	vld [tilespmem:$0xD8]  }
0x32: {  	v57 =	vld [tilespmem:$0xE8]  }
0x33: {  	v58 =	vld [tilespmem:$0xF8]  }
0x34: {  	v59 =	vld [tilespmem:$0x108]  }
0x35: {  	v60 =	vld [tilespmem:$0x130];
	[tilespmem:$0xFE00] =	vst v4  }
0x36: {  	v4 =	vld [tilespmem:$0x118];
	[tilespmem:$0xFE10] =	vst v5  }
0x37: {  	v5 =	vld [tilespmem:$0x120];
	[tilespmem:$0xFE20] =	vst v57  }
0x38: {  	v61 =	vld [tilespmem:$0x140];
	[tilespmem:$0xFE30] =	vst v58  }
0x39: {  	v62 =	vld [tilespmem:$0x150];
	[tilespmem:$0xFE40] =	vst v59  }
0x3a: {  	v63 =	vld [tilespmem:$0x180];
	[tilespmem:$0xFE80] =	vst v60  }
0x3b: {  	[tilespmem:$0xFE50] =	vst v4;
	v4 =	vld [tilespmem:$0x160]  }
0x3c: {  	[tilespmem:$0xFE58] =	vst v5;
	v5 =	vld [tilespmem:$0x170]  }
0x3d: {  	[tilespmem:$0xFE90] =	vst v61  }
0x3e: {  	[tilespmem:$0xFEA0] =	vst v62  }
0x3f: {  	[tilespmem:$0xFED0] =	vst v63  }
0x40: {  	[tilespmem:$0xFEB0] =	vst v4  }
0x41: {  	[tilespmem:$0xFEC0] =	vst v5  }
0x42: {  	[tilespmem:s19], [sflag:$0x2] =	stream.indirect.gather [hbm4b:s3+s9], $0x80, s18, s9, $0xb8;
	[tilespmem:$0xFF00] =	vst v63  }
0x43: {  	s28 =	simm.s32 $0x0  }
0x44: {  	[tilespmem:s21], [sflag:$0x2] =	stream.indirect.gather [hbm4b:s3+s15], $0x80, s20, s15, $0xb8;
	[tilespmem:$0xFF00] =	vst v63  }
.LBB2_2:
0x45: {  	s29 =	smul.u32 $0x190, s28  }
0x46: {  	s30 =	simm.s32 $0x0  }
0x47: {  	_ =	swait.ge [sflag:s22], $0x3400;
	v6 =	vor.u32 s30, v0;
	v4 =	vmov s29  }
0x48: {  	[sflag:s22] =	ssyncset.done $0x0;
	v5 =	vadd.s32 v4, v6  }
0x49: {  	[sflag:s22] =	ssyncadd.s32 $0xFFFFCC00  }
0x4a: {  	_ =	swait.ge [sflag:s22], $0x3000  }
0x4b: {  	s30 =	simm.s32 $0x2;
	[sflag:s22] =	ssyncset.done $0x0  }
0x4c: {  	v7 =	vor.u32 s30, v0;
	[sflag:s22] =	ssyncadd.s32 $0xFFFFD000  }
0x4d: {  	v8 =	vadd.s32 v4, v7;
	v5 =	vld.idx.msk [tilespmem:v5+s7+$0x0], $0xffff;
	_ =	sdelay $0x4  }
0x4e: {  	s30 =	simm.s32 $0x4;
	v8 =	vld.idx.msk [tilespmem:v8+s7+$0x0], $0xffff;
	v9 =	vadd.s32 v1, v5  }
0x4f: {  	v6 =	vshll.u32 v6, $0x7;
	v5 =	vor.u32 s30, v0;
	v10 =	vand.u32 $0xFFFFFF80, v9  }
0x50: {  	v11 =	vadd.s32 v4, v5;
	v9 =	vand.u32 $0x7F, v9;
	v6 =	vadd.s32 v6, v10  }
0x51: {  	v9 =	vor.u32 v9, v6;
	_ =	sdelay $0x1  }
0x52: {  	v6 =	vadd.s32 v1, v8  }
0x53: {  	v12 =	vshll.u32 v7, $0x7;
	s30 =	simm.s32 $0x6;
	v8 =	vand.u32 $0xFFFFFF80, v6  }
0x54: {  	v7 =	vor.u32 s30, v0;
	v13 =	vand.u32 $0x7F, v6;
	v12 =	vadd.s32 v12, v8;
	v10 =	vld.idx.msk [tilespmem:v11+s7+$0x0], $0xffff  }
0x55: {  	s30 =	simm.s32 $0x8;
	v6 =	vimm.f32 $0.0e+00;
	v11 =	vadd.s32 v4, v7;
	v8 =	vld.idx.msk [tilespmem:v9+s11+$0x0], $0xffff;
	v9 =	vor.u32 v13, v12  }
.LBB2_3:
0x56: {  	_ = 	snop  }
0x57: {  	p0 =	sne.s32 s30, $0x30  }
.Ltmp0:
0x58: {  	_ = 	snop;
	(pc) =	sbr.rel @p0 .LBB2_3-.Ltmp0, $4  }
0x59: {  	v13 =	vadd.s32 v1, v10  }
0x5a: {  	v12 =	vor.u32 s30, v0;
	v15 =	vshll.u32 v5, $0x7;
	v14 =	vand.u32 $0xFFFFFF80, v13  }
0x5b: {  	v5 =	vmovc v7;
	v7 =	vmov v12;
	v10 =	vld.idx.msk [tilespmem:v11+s7+$0x0], $0xffff;
	v62 =	vand.u32 $0x7F, v13;
	v63 =	vadd.s32 v15, v14  }
0x5c: {  	s30 =	sadd.s32 $0x2, s30;
	v11 =	vadd.s32 v4, v12;
	v6 =	vadd.f32 v8, v6;
	v8 =	vld.idx.msk [tilespmem:v9+s11+$0x0], $0xffff;
	v9 =	vor.u32 v62, v63  }
0x5d: {  	_ =	sdelay $0x3  }
0x5e: {  	v11 =	vld.idx.msk [tilespmem:v11+s7+$0x0], $0xffff;
	_ =	sdelay $0x2  }
0x5f: {  	v10 =	vadd.s32 v1, v10  }
0x60: {  	v5 =	vshll.u32 v5, $0x7;
	v12 =	vand.u32 $0xFFFFFF80, v10  }
0x61: {  	v10 =	vand.u32 $0x7F, v10;
	v5 =	vadd.s32 v5, v12;
	v11 =	vadd.s32 v1, v11  }
0x62: {  	v7 =	vshll.u32 v7, $0x7;
	v5 =	vor.u32 v10, v5;
	v10 =	vand.u32 $0xFFFFFF80, v11  }
0x63: {  	v11 =	vand.u32 $0x7F, v11;
	v7 =	vadd.s32 v7, v10  }
0x64: {  	v7 =	vor.u32 v11, v7  }
0x65: {  	v9 =	vld.idx.msk [tilespmem:v9+s11+$0x0], $0xffff;
	_ =	sdelay $0x1  }
0x66: {  	v5 =	vld.idx.msk [tilespmem:v5+s11+$0x0], $0xffff  }
0x67: {  	v6 =	vadd.f32 v8, v6  }
0x68: {  	v7 =	vld.idx.msk [tilespmem:v7+s11+$0x0], $0xffff  }
0x69: {  	s30 =	simm.s32 $0x32;
	v6 =	vadd.f32 v9, v6  }
0x6a: {  	v8 =	vor.u32 s30, v0  }
0x6b: {  	v5 =	vadd.f32 v5, v6;
	v6 =	vadd.s32 v4, v8;
	_ =	sdelay $0x1  }
0x6c: {  	v5 =	vadd.f32 v7, v5  }
0x6d: {  	s30 =	simm.s32 $0x34  }
0x6e: {  	v7 =	vor.u32 s30, v0;
	[tilespmem:$0xFC80] =	vst v5  }
0x6f: {  	v5 =	vld.idx.msk [tilespmem:v6+s7+$0x0], $0xffff;
	v6 =	vadd.s32 v4, v7;
	_ =	sdelay $0x4  }
0x70: {  	s30 =	simm.s32 $0x36;
	v6 =	vld.idx.msk [tilespmem:v6+s7+$0x0], $0xffff;
	v9 =	vadd.s32 v1, v5  }
0x71: {  	v8 =	vshll.u32 v8, $0x7;
	v5 =	vor.u32 s30, v0;
	v10 =	vand.u32 $0xFFFFFF80, v9  }
0x72: {  	v11 =	vadd.s32 v4, v5;
	v9 =	vand.u32 $0x7F, v9;
	v8 =	vadd.s32 v8, v10  }
0x73: {  	v8 =	vor.u32 v9, v8;
	_ =	sdelay $0x1  }
0x74: {  	v6 =	vadd.s32 v1, v6  }
0x75: {  	v63 =	vshll.u32 v7, $0x7;
	s30 =	simm.s32 $0x38;
	v9 =	vand.u32 $0xFFFFFF80, v6  }
0x76: {  	v7 =	vor.u32 s30, v0;
	v10 =	vld.idx.msk [tilespmem:v11+s7+$0x0], $0xffff;
	v13 =	vand.u32 $0x7F, v6;
	v9 =	vadd.s32 v63, v9  }
0x77: {  	s30 =	simm.s32 $0x3A;
	v6 =	vimm.f32 $0.0e+00;
	v11 =	vadd.s32 v4, v7;
	v8 =	vld.idx.msk [tilespmem:v8+s11+$0x0], $0xffff;
	v9 =	vor.u32 v13, v9  }
.LBB2_5:
0x78: {  	_ = 	snop  }
0x79: {  	p0 =	sne.s32 s30, $0x62  }
.Ltmp1:
0x7a: {  	_ = 	snop;
	(pc) =	sbr.rel @p0 .LBB2_5-.Ltmp1, $4  }
0x7b: {  	v13 =	vadd.s32 v1, v10  }
0x7c: {  	v12 =	vor.u32 s30, v0;
	v15 =	vshll.u32 v5, $0x7;
	v14 =	vand.u32 $0xFFFFFF80, v13  }
0x7d: {  	v5 =	vmovc v7;
	v7 =	vmov v12;
	v10 =	vld.idx.msk [tilespmem:v11+s7+$0x0], $0xffff;
	v62 =	vand.u32 $0x7F, v13;
	v63 =	vadd.s32 v15, v14  }
0x7e: {  	s30 =	sadd.s32 $0x2, s30;
	v11 =	vadd.s32 v4, v12;
	v6 =	vadd.f32 v8, v6;
	v8 =	vld.idx.msk [tilespmem:v9+s11+$0x0], $0xffff;
	v9 =	vor.u32 v62, v63  }
0x7f: {  	_ =	sdelay $0x3  }
0x80: {  	v11 =	vld.idx.msk [tilespmem:v11+s7+$0x0], $0xffff;
	_ =	sdelay $0x2  }
0x81: {  	v10 =	vadd.s32 v1, v10  }
0x82: {  	v5 =	vshll.u32 v5, $0x7;
	v12 =	vand.u32 $0xFFFFFF80, v10  }
0x83: {  	v10 =	vand.u32 $0x7F, v10;
	v5 =	vadd.s32 v5, v12;
	v11 =	vadd.s32 v1, v11  }
0x84: {  	v7 =	vshll.u32 v7, $0x7;
	v5 =	vor.u32 v10, v5;
	v10 =	vand.u32 $0xFFFFFF80, v11  }
0x85: {  	v11 =	vand.u32 $0x7F, v11;
	v7 =	vadd.s32 v7, v10  }
0x86: {  	v7 =	vor.u32 v11, v7  }
0x87: {  	v9 =	vld.idx.msk [tilespmem:v9+s11+$0x0], $0xffff;
	_ =	sdelay $0x1  }
0x88: {  	v5 =	vld.idx.msk [tilespmem:v5+s11+$0x0], $0xffff  }
0x89: {  	v6 =	vadd.f32 v8, v6  }
0x8a: {  	v7 =	vld.idx.msk [tilespmem:v7+s11+$0x0], $0xffff  }
0x8b: {  	s30 =	simm.s32 $0x64;
	v6 =	vadd.f32 v9, v6  }
0x8c: {  	v8 =	vor.u32 s30, v0  }
0x8d: {  	v5 =	vadd.f32 v5, v6;
	v6 =	vadd.s32 v4, v8;
	_ =	sdelay $0x1  }
0x8e: {  	v5 =	vadd.f32 v7, v5  }
0x8f: {  	s30 =	simm.s32 $0x66  }
0x90: {  	v7 =	vor.u32 s30, v0;
	[tilespmem:$0xFC90] =	vst v5  }
0x91: {  	v5 =	vld.idx.msk [tilespmem:v6+s7+$0x0], $0xffff;
	v6 =	vadd.s32 v4, v7;
	_ =	sdelay $0x4  }
0x92: {  	s30 =	simm.s32 $0x68;
	v6 =	vld.idx.msk [tilespmem:v6+s7+$0x0], $0xffff;
	v9 =	vadd.s32 v1, v5  }
0x93: {  	v8 =	vshll.u32 v8, $0x7;
	v5 =	vor.u32 s30, v0;
	v10 =	vand.u32 $0xFFFFFF80, v9  }
0x94: {  	v11 =	vadd.s32 v4, v5;
	v9 =	vand.u32 $0x7F, v9;
	v8 =	vadd.s32 v8, v10  }
0x95: {  	v8 =	vor.u32 v9, v8;
	_ =	sdelay $0x1  }
0x96: {  	v6 =	vadd.s32 v1, v6  }
0x97: {  	v63 =	vshll.u32 v7, $0x7;
	s30 =	simm.s32 $0x6A;
	v9 =	vand.u32 $0xFFFFFF80, v6  }
0x98: {  	v7 =	vor.u32 s30, v0;
	v10 =	vld.idx.msk [tilespmem:v11+s7+$0x0], $0xffff;
	v13 =	vand.u32 $0x7F, v6;
	v9 =	vadd.s32 v63, v9  }
0x99: {  	s30 =	simm.s32 $0x6C;
	v6 =	vimm.f32 $0.0e+00;
	v11 =	vadd.s32 v4, v7;
	v8 =	vld.idx.msk [tilespmem:v8+s11+$0x0], $0xffff;
	v9 =	vor.u32 v13, v9  }
.LBB2_7:
0x9a: {  	_ = 	snop  }
0x9b: {  	p0 =	sne.s32 s30, $0x94  }
.Ltmp2:
0x9c: {  	_ = 	snop;
	(pc) =	sbr.rel @p0 .LBB2_7-.Ltmp2, $4  }
0x9d: {  	v13 =	vadd.s32 v1, v10  }
0x9e: {  	v12 =	vor.u32 s30, v0;
	v15 =	vshll.u32 v5, $0x7;
	v14 =	vand.u32 $0xFFFFFF80, v13  }
0x9f: {  	v5 =	vmovc v7;
	v7 =	vmov v12;
	v10 =	vld.idx.msk [tilespmem:v11+s7+$0x0], $0xffff;
	v62 =	vand.u32 $0x7F, v13;
	v63 =	vadd.s32 v15, v14  }
0xa0: {  	s30 =	sadd.s32 $0x2, s30;
	v11 =	vadd.s32 v4, v12;
	v6 =	vadd.f32 v8, v6;
	v8 =	vld.idx.msk [tilespmem:v9+s11+$0x0], $0xffff;
	v9 =	vor.u32 v62, v63  }
0xa1: {  	_ =	sdelay $0x3  }
0xa2: {  	v11 =	vld.idx.msk [tilespmem:v11+s7+$0x0], $0xffff;
	_ =	sdelay $0x2  }
0xa3: {  	v10 =	vadd.s32 v1, v10  }
0xa4: {  	v5 =	vshll.u32 v5, $0x7;
	v12 =	vand.u32 $0xFFFFFF80, v10  }
0xa5: {  	v10 =	vand.u32 $0x7F, v10;
	v5 =	vadd.s32 v5, v12;
	v11 =	vadd.s32 v1, v11  }
0xa6: {  	v7 =	vshll.u32 v7, $0x7;
	v5 =	vor.u32 v10, v5;
	v10 =	vand.u32 $0xFFFFFF80, v11  }
0xa7: {  	v11 =	vand.u32 $0x7F, v11;
	v7 =	vadd.s32 v7, v10  }
0xa8: {  	v7 =	vor.u32 v11, v7  }
0xa9: {  	v9 =	vld.idx.msk [tilespmem:v9+s11+$0x0], $0xffff;
	_ =	sdelay $0x1  }
0xaa: {  	v5 =	vld.idx.msk [tilespmem:v5+s11+$0x0], $0xffff  }
0xab: {  	v6 =	vadd.f32 v8, v6  }
0xac: {  	v7 =	vld.idx.msk [tilespmem:v7+s11+$0x0], $0xffff  }
0xad: {  	s30 =	simm.s32 $0x96;
	v6 =	vadd.f32 v9, v6  }
0xae: {  	v8 =	vor.u32 s30, v0  }
0xaf: {  	v5 =	vadd.f32 v5, v6;
	v6 =	vadd.s32 v4, v8;
	_ =	sdelay $0x1  }
0xb0: {  	v5 =	vadd.f32 v7, v5  }
0xb1: {  	s30 =	simm.s32 $0x98  }
0xb2: {  	v7 =	vor.u32 s30, v0;
	[tilespmem:$0xFCA0] =	vst v5  }
0xb3: {  	v5 =	vld.idx.msk [tilespmem:v6+s7+$0x0], $0xffff;
	v6 =	vadd.s32 v4, v7;
	_ =	sdelay $0x4  }
0xb4: {  	s30 =	simm.s32 $0x9A;
	v6 =	vld.idx.msk [tilespmem:v6+s7+$0x0], $0xffff;
	v9 =	vadd.s32 v1, v5  }
0xb5: {  	v8 =	vshll.u32 v8, $0x7;
	v5 =	vor.u32 s30, v0;
	v10 =	vand.u32 $0xFFFFFF80, v9  }
0xb6: {  	v11 =	vadd.s32 v4, v5;
	v9 =	vand.u32 $0x7F, v9;
	v8 =	vadd.s32 v8, v10  }
0xb7: {  	v8 =	vor.u32 v9, v8;
	_ =	sdelay $0x1  }
0xb8: {  	v6 =	vadd.s32 v1, v6  }
0xb9: {  	v63 =	vshll.u32 v7, $0x7;
	s30 =	simm.s32 $0x9C;
	v9 =	vand.u32 $0xFFFFFF80, v6  }
0xba: {  	v7 =	vor.u32 s30, v0;
	v10 =	vld.idx.msk [tilespmem:v11+s7+$0x0], $0xffff;
	v13 =	vand.u32 $0x7F, v6;
	v9 =	vadd.s32 v63, v9  }
0xbb: {  	s30 =	simm.s32 $0x9E;
	v6 =	vimm.f32 $0.0e+00;
	v11 =	vadd.s32 v4, v7;
	v8 =	vld.idx.msk [tilespmem:v8+s11+$0x0], $0xffff;
	v9 =	vor.u32 v13, v9  }
.LBB2_9:
0xbc: {  	_ = 	snop  }
0xbd: {  	p0 =	sne.s32 s30, $0xC6  }
.Ltmp3:
0xbe: {  	_ = 	snop;
	(pc) =	sbr.rel @p0 .LBB2_9-.Ltmp3, $4  }
0xbf: {  	v13 =	vadd.s32 v1, v10  }
0xc0: {  	v12 =	vor.u32 s30, v0;
	v15 =	vshll.u32 v5, $0x7;
	v14 =	vand.u32 $0xFFFFFF80, v13  }
0xc1: {  	v5 =	vmovc v7;
	v7 =	vmov v12;
	v10 =	vld.idx.msk [tilespmem:v11+s7+$0x0], $0xffff;
	v62 =	vand.u32 $0x7F, v13;
	v63 =	vadd.s32 v15, v14  }
0xc2: {  	s30 =	sadd.s32 $0x2, s30;
	v11 =	vadd.s32 v4, v12;
	v6 =	vadd.f32 v8, v6;
	v8 =	vld.idx.msk [tilespmem:v9+s11+$0x0], $0xffff;
	v9 =	vor.u32 v62, v63  }
0xc3: {  	_ =	sdelay $0x3  }
0xc4: {  	v4 =	vld.idx.msk [tilespmem:v11+s7+$0x0], $0xffff;
	_ =	sdelay $0x2  }
0xc5: {  	v10 =	vadd.s32 v1, v10  }
0xc6: {  	v5 =	vshll.u32 v5, $0x7;
	v11 =	vand.u32 $0xFFFFFF80, v10  }
0xc7: {  	v10 =	vand.u32 $0x7F, v10;
	v5 =	vadd.s32 v5, v11;
	v4 =	vadd.s32 v1, v4  }
0xc8: {  	v7 =	vshll.u32 v7, $0x7;
	v5 =	vor.u32 v10, v5;
	v10 =	vand.u32 $0xFFFFFF80, v4  }
0xc9: {  	v4 =	vand.u32 $0x7F, v4;
	v7 =	vadd.s32 v7, v10  }
0xca: {  	v4 =	vor.u32 v4, v7  }
0xcb: {  	v7 =	vld.idx.msk [tilespmem:v9+s11+$0x0], $0xffff;
	_ =	sdelay $0x1  }
0xcc: {  	v5 =	vld.idx.msk [tilespmem:v5+s11+$0x0], $0xffff  }
0xcd: {  	v6 =	vadd.f32 v8, v6  }
0xce: {  	v4 =	vld.idx.msk [tilespmem:v4+s11+$0x0], $0xffff  }
0xcf: {  	v6 =	vadd.f32 v7, v6;
	_ =	sdelay $0x1  }
0xd0: {  	v5 =	vadd.f32 v5, v6;
	_ =	sdelay $0x1  }
0xd1: {  	v4 =	vadd.f32 v4, v5;
	_ =	sdelay $0x1  }
0xd2: {  	p0 =	seq.s32 s28, $0xF;
	[tilespmem:$0xFCB0] =	vst v4  }
0xd3: {  	v4 =	vld @!p0 [tilespmem:s29+$0x190];
	_ =	sdelay $0x4  }
0xd4: {  	[tilespmem:$0xFD00] =	vst @!p0 v4  }
0xd5: {  	v4 =	vld @!p0 [tilespmem:s29+$0x1A0];
	_ =	sdelay $0x4  }
0xd6: {  	[tilespmem:$0xFD10] =	vst @!p0 v4  }
0xd7: {  	v4 =	vld @!p0 [tilespmem:s29+$0x1B0];
	_ =	sdelay $0x4  }
0xd8: {  	[tilespmem:$0xFD20] =	vst @!p0 v4  }
0xd9: {  	v4 =	vld @!p0 [tilespmem:s29+$0x1C0];
	_ =	sdelay $0x4  }
0xda: {  	[tilespmem:$0xFD30] =	vst @!p0 v4  }
0xdb: {  	v4 =	vld @!p0 [tilespmem:s29+$0x1D0];
	_ =	sdelay $0x4  }
0xdc: {  	[tilespmem:$0xFD40] =	vst @!p0 v4  }
0xdd: {  	v4 =	vld @!p0 [tilespmem:s29+$0x1E0];
	_ =	sdelay $0x4  }
0xde: {  	[tilespmem:$0xFD50] =	vst @!p0 v4  }
0xdf: {  	v4 =	vld @!p0 [tilespmem:s29+$0x1E8];
	_ =	sdelay $0x4  }
0xe0: {  	[tilespmem:$0xFD58] =	vst @!p0 v4  }
0xe1: {  	v4 =	vld @!p0 [tilespmem:s29+$0x1F8];
	_ =	sdelay $0x4  }
0xe2: {  	[tilespmem:$0xFD80] =	vst @!p0 v4  }
0xe3: {  	v4 =	vld @!p0 [tilespmem:s29+$0x208];
	_ =	sdelay $0x4  }
0xe4: {  	[tilespmem:$0xFD90] =	vst @!p0 v4  }
0xe5: {  	v4 =	vld @!p0 [tilespmem:s29+$0x218];
	_ =	sdelay $0x4  }
0xe6: {  	[tilespmem:$0xFDA0] =	vst @!p0 v4  }
0xe7: {  	v4 =	vld @!p0 [tilespmem:s29+$0x228];
	_ =	sdelay $0x4  }
0xe8: {  	[tilespmem:$0xFDB0] =	vst @!p0 v4  }
0xe9: {  	v4 =	vld @!p0 [tilespmem:s29+$0x238];
	_ =	sdelay $0x4  }
0xea: {  	[tilespmem:$0xFDC0] =	vst @!p0 v4  }
0xeb: {  	v4 =	vld @!p0 [tilespmem:s29+$0x248];
	_ =	sdelay $0x4  }
0xec: {  	s30 =	simm.s32 @!p0 $0x68;
	s31 =	simm.s32 @!p0 $0xFD00;
	s1 =	simm.s32 @!p0 $0x3200;
	[tilespmem:$0xFDD0] =	vst @!p0 v4  }
0xed: {  	[tilespmem:s1], [sflag:$0x1] =	stream.indirect.gather @!p0 [hbm4b:s3+s30], $0x80, s31, s30, $0xb8;
	[tilespmem:$0xFF00] =	vst v63  }
0xee: {  	s1 =	simm.s32 @!p0 $0x60;
	s30 =	simm.s32 @!p0 $0xFD80;
	s31 =	simm.s32 @!p0 $0x6600  }
0xef: {  	[tilespmem:s31], [sflag:$0x1] =	stream.indirect.gather @!p0 [hbm4b:s3+s1], $0x80, s30, s1, $0xb8;
	[tilespmem:$0xFF00] =	vst v63  }
0xf0: {  	v4 =	vld.idx.msk [tilespmem:v2+s23+$0x0], $0xffff  }
0xf1: {  	v5 =	vld.idx.msk [tilespmem:v3+s23+$0x0], $0xffff;
	_ =	sdelay $0x3  }
0xf2: {  	v6 =	vld [tilespmem:$0xFA00]  }
0xf3: {  	v4 =	vadd.f32 v5, v4;
	_ =	sdelay $0x1  }
0xf4: {  	v4 =	vmul.f32 $1.999999960e-02, v4  }
0xf5: {  	s1 =	sshll.u32 s28, $0x1  }
0xf6: {  	s31 =	sshll.u32 s28, $0x5;
	s30 =	sor.u32 $0x1, s1;
	v4 =	vadd.f32 v4, v6  }
0xf7: {  	s1 =	sand.u32 $0x3FFFFFE0, s31;
	s31 =	smul.u32 $0xC8, s30  }
0xf8: {  	[tilespmem:s1+$0xFA80] =	vst v4;
	s1 =	simm.s32 $0x0  }
0xf9: {  	v4 =	vmov s31;
	_ =	swait.ge [sflag:s24], $0x3400;
	v6 =	vor.u32 s1, v0  }
0xfa: {  	[sflag:s24] =	ssyncset.done $0x0;
	v5 =	vadd.s32 v4, v6  }
0xfb: {  	[sflag:s24] =	ssyncadd.s32 $0xFFFFCC00  }
0xfc: {  	_ =	swait.ge [sflag:s24], $0x3000  }
0xfd: {  	s1 =	simm.s32 $0x2;
	[sflag:s24] =	ssyncset.done $0x0  }
0xfe: {  	v7 =	vor.u32 s1, v0;
	[sflag:s24] =	ssyncadd.s32 $0xFFFFD000  }
0xff: {  	v8 =	vadd.s32 v4, v7;
	v5 =	vld.idx.msk [tilespmem:v5+s7+$0x0], $0xffff;
	_ =	sdelay $0x4  }
0x100: {  	s1 =	simm.s32 $0x4;
	v8 =	vld.idx.msk [tilespmem:v8+s7+$0x0], $0xffff;
	v9 =	vadd.s32 v1, v5  }
0x101: {  	v6 =	vshll.u32 v6, $0x7;
	v5 =	vor.u32 s1, v0;
	v10 =	vand.u32 $0xFFFFFF80, v9  }
0x102: {  	v11 =	vadd.s32 v4, v5;
	v9 =	vand.u32 $0x7F, v9;
	v6 =	vadd.s32 v6, v10  }
0x103: {  	v9 =	vor.u32 v9, v6;
	_ =	sdelay $0x1  }
0x104: {  	v6 =	vadd.s32 v1, v8  }
0x105: {  	v12 =	vshll.u32 v7, $0x7;
	s1 =	simm.s32 $0x6;
	v8 =	vand.u32 $0xFFFFFF80, v6  }
0x106: {  	v7 =	vor.u32 s1, v0;
	v13 =	vand.u32 $0x7F, v6;
	v12 =	vadd.s32 v12, v8;
	v10 =	vld.idx.msk [tilespmem:v11+s7+$0x0], $0xffff  }
0x107: {  	s31 =	simm.s32 $0x8;
	v6 =	vimm.f32 $0.0e+00;
	v11 =	vadd.s32 v4, v7;
	v8 =	vld.idx.msk [tilespmem:v9+s19+$0x0], $0xffff;
	v9 =	vor.u32 v13, v12  }
.LBB2_11:
0x108: {  	_ = 	snop  }
0x109: {  	p1 =	sne.s32 s31, $0x30  }
.Ltmp4:
0x10a: {  	_ = 	snop;
	(pc) =	sbr.rel @p1 .LBB2_11-.Ltmp4, $4  }
0x10b: {  	v13 =	vadd.s32 v1, v10  }
0x10c: {  	v12 =	vor.u32 s31, v0;
	v15 =	vshll.u32 v5, $0x7;
	v14 =	vand.u32 $0xFFFFFF80, v13  }
0x10d: {  	v5 =	vmovc v7;
	v7 =	vmov v12;
	v10 =	vld.idx.msk [tilespmem:v11+s7+$0x0], $0xffff;
	v62 =	vand.u32 $0x7F, v13;
	v63 =	vadd.s32 v15, v14  }
0x10e: {  	s31 =	sadd.s32 $0x2, s31;
	v11 =	vadd.s32 v4, v12;
	v6 =	vadd.f32 v8, v6;
	v8 =	vld.idx.msk [tilespmem:v9+s19+$0x0], $0xffff;
	v9 =	vor.u32 v62, v63  }
0x10f: {  	_ =	sdelay $0x3  }
0x110: {  	v11 =	vld.idx.msk [tilespmem:v11+s7+$0x0], $0xffff;
	_ =	sdelay $0x2  }
0x111: {  	v10 =	vadd.s32 v1, v10  }
0x112: {  	v5 =	vshll.u32 v5, $0x7;
	v12 =	vand.u32 $0xFFFFFF80, v10  }
0x113: {  	v10 =	vand.u32 $0x7F, v10;
	v5 =	vadd.s32 v5, v12;
	v11 =	vadd.s32 v1, v11  }
0x114: {  	v7 =	vshll.u32 v7, $0x7;
	v5 =	vor.u32 v10, v5;
	v10 =	vand.u32 $0xFFFFFF80, v11  }
0x115: {  	v11 =	vand.u32 $0x7F, v11;
	v7 =	vadd.s32 v7, v10  }
0x116: {  	v7 =	vor.u32 v11, v7  }
0x117: {  	v9 =	vld.idx.msk [tilespmem:v9+s19+$0x0], $0xffff;
	_ =	sdelay $0x1  }
0x118: {  	v5 =	vld.idx.msk [tilespmem:v5+s19+$0x0], $0xffff  }
0x119: {  	v6 =	vadd.f32 v8, v6  }
0x11a: {  	v7 =	vld.idx.msk [tilespmem:v7+s19+$0x0], $0xffff  }
0x11b: {  	s1 =	simm.s32 $0x32;
	v6 =	vadd.f32 v9, v6  }
0x11c: {  	v8 =	vor.u32 s1, v0  }
0x11d: {  	v5 =	vadd.f32 v5, v6;
	v6 =	vadd.s32 v4, v8;
	_ =	sdelay $0x1  }
0x11e: {  	v5 =	vadd.f32 v7, v5  }
0x11f: {  	s1 =	simm.s32 $0x34  }
0x120: {  	v7 =	vor.u32 s1, v0;
	[tilespmem:$0xFC80] =	vst v5  }
0x121: {  	v5 =	vld.idx.msk [tilespmem:v6+s7+$0x0], $0xffff;
	v6 =	vadd.s32 v4, v7;
	_ =	sdelay $0x4  }
0x122: {  	s1 =	simm.s32 $0x36;
	v6 =	vld.idx.msk [tilespmem:v6+s7+$0x0], $0xffff;
	v9 =	vadd.s32 v1, v5  }
0x123: {  	v8 =	vshll.u32 v8, $0x7;
	v5 =	vor.u32 s1, v0;
	v10 =	vand.u32 $0xFFFFFF80, v9  }
0x124: {  	v11 =	vadd.s32 v4, v5;
	v9 =	vand.u32 $0x7F, v9;
	v8 =	vadd.s32 v8, v10  }
0x125: {  	v8 =	vor.u32 v9, v8;
	_ =	sdelay $0x1  }
0x126: {  	v6 =	vadd.s32 v1, v6  }
0x127: {  	v63 =	vshll.u32 v7, $0x7;
	s1 =	simm.s32 $0x38;
	v9 =	vand.u32 $0xFFFFFF80, v6  }
0x128: {  	v7 =	vor.u32 s1, v0;
	v10 =	vld.idx.msk [tilespmem:v11+s7+$0x0], $0xffff;
	v13 =	vand.u32 $0x7F, v6;
	v9 =	vadd.s32 v63, v9  }
0x129: {  	s31 =	simm.s32 $0x3A;
	v6 =	vimm.f32 $0.0e+00;
	v11 =	vadd.s32 v4, v7;
	v8 =	vld.idx.msk [tilespmem:v8+s19+$0x0], $0xffff;
	v9 =	vor.u32 v13, v9  }
.LBB2_13:
0x12a: {  	_ = 	snop  }
0x12b: {  	p1 =	sne.s32 s31, $0x62  }
.Ltmp5:
0x12c: {  	_ = 	snop;
	(pc) =	sbr.rel @p1 .LBB2_13-.Ltmp5, $4  }
0x12d: {  	v13 =	vadd.s32 v1, v10  }
0x12e: {  	v12 =	vor.u32 s31, v0;
	v15 =	vshll.u32 v5, $0x7;
	v14 =	vand.u32 $0xFFFFFF80, v13  }
0x12f: {  	v5 =	vmovc v7;
	v7 =	vmov v12;
	v10 =	vld.idx.msk [tilespmem:v11+s7+$0x0], $0xffff;
	v62 =	vand.u32 $0x7F, v13;
	v63 =	vadd.s32 v15, v14  }
0x130: {  	s31 =	sadd.s32 $0x2, s31;
	v11 =	vadd.s32 v4, v12;
	v6 =	vadd.f32 v8, v6;
	v8 =	vld.idx.msk [tilespmem:v9+s19+$0x0], $0xffff;
	v9 =	vor.u32 v62, v63  }
0x131: {  	_ =	sdelay $0x3  }
0x132: {  	v11 =	vld.idx.msk [tilespmem:v11+s7+$0x0], $0xffff;
	_ =	sdelay $0x2  }
0x133: {  	v10 =	vadd.s32 v1, v10  }
0x134: {  	v5 =	vshll.u32 v5, $0x7;
	v12 =	vand.u32 $0xFFFFFF80, v10  }
0x135: {  	v10 =	vand.u32 $0x7F, v10;
	v5 =	vadd.s32 v5, v12;
	v11 =	vadd.s32 v1, v11  }
0x136: {  	v7 =	vshll.u32 v7, $0x7;
	v5 =	vor.u32 v10, v5;
	v10 =	vand.u32 $0xFFFFFF80, v11  }
0x137: {  	v11 =	vand.u32 $0x7F, v11;
	v7 =	vadd.s32 v7, v10  }
0x138: {  	v7 =	vor.u32 v11, v7  }
0x139: {  	v9 =	vld.idx.msk [tilespmem:v9+s19+$0x0], $0xffff;
	_ =	sdelay $0x1  }
0x13a: {  	v5 =	vld.idx.msk [tilespmem:v5+s19+$0x0], $0xffff  }
0x13b: {  	v6 =	vadd.f32 v8, v6  }
0x13c: {  	v7 =	vld.idx.msk [tilespmem:v7+s19+$0x0], $0xffff  }
0x13d: {  	s1 =	simm.s32 $0x64;
	v6 =	vadd.f32 v9, v6  }
0x13e: {  	v8 =	vor.u32 s1, v0  }
0x13f: {  	v5 =	vadd.f32 v5, v6;
	v6 =	vadd.s32 v4, v8;
	_ =	sdelay $0x1  }
0x140: {  	v5 =	vadd.f32 v7, v5  }
0x141: {  	s1 =	simm.s32 $0x66  }
0x142: {  	v7 =	vor.u32 s1, v0;
	[tilespmem:$0xFC90] =	vst v5  }
0x143: {  	v5 =	vld.idx.msk [tilespmem:v6+s7+$0x0], $0xffff;
	v6 =	vadd.s32 v4, v7;
	_ =	sdelay $0x4  }
0x144: {  	s1 =	simm.s32 $0x68;
	v6 =	vld.idx.msk [tilespmem:v6+s7+$0x0], $0xffff;
	v9 =	vadd.s32 v1, v5  }
0x145: {  	v8 =	vshll.u32 v8, $0x7;
	v5 =	vor.u32 s1, v0;
	v10 =	vand.u32 $0xFFFFFF80, v9  }
0x146: {  	v11 =	vadd.s32 v4, v5;
	v9 =	vand.u32 $0x7F, v9;
	v8 =	vadd.s32 v8, v10  }
0x147: {  	v8 =	vor.u32 v9, v8;
	_ =	sdelay $0x1  }
0x148: {  	v6 =	vadd.s32 v1, v6  }
0x149: {  	v63 =	vshll.u32 v7, $0x7;
	s1 =	simm.s32 $0x6A;
	v9 =	vand.u32 $0xFFFFFF80, v6  }
0x14a: {  	v7 =	vor.u32 s1, v0;
	v10 =	vld.idx.msk [tilespmem:v11+s7+$0x0], $0xffff;
	v13 =	vand.u32 $0x7F, v6;
	v9 =	vadd.s32 v63, v9  }
0x14b: {  	s31 =	simm.s32 $0x6C;
	v6 =	vimm.f32 $0.0e+00;
	v11 =	vadd.s32 v4, v7;
	v8 =	vld.idx.msk [tilespmem:v8+s19+$0x0], $0xffff;
	v9 =	vor.u32 v13, v9  }
.LBB2_15:
0x14c: {  	_ = 	snop  }
0x14d: {  	p1 =	sne.s32 s31, $0x94  }
.Ltmp6:
0x14e: {  	_ = 	snop;
	(pc) =	sbr.rel @p1 .LBB2_15-.Ltmp6, $4  }
0x14f: {  	v13 =	vadd.s32 v1, v10  }
0x150: {  	v12 =	vor.u32 s31, v0;
	v15 =	vshll.u32 v5, $0x7;
	v14 =	vand.u32 $0xFFFFFF80, v13  }
0x151: {  	v5 =	vmovc v7;
	v7 =	vmov v12;
	v10 =	vld.idx.msk [tilespmem:v11+s7+$0x0], $0xffff;
	v62 =	vand.u32 $0x7F, v13;
	v63 =	vadd.s32 v15, v14  }
0x152: {  	s31 =	sadd.s32 $0x2, s31;
	v11 =	vadd.s32 v4, v12;
	v6 =	vadd.f32 v8, v6;
	v8 =	vld.idx.msk [tilespmem:v9+s19+$0x0], $0xffff;
	v9 =	vor.u32 v62, v63  }
0x153: {  	_ =	sdelay $0x3  }
0x154: {  	v11 =	vld.idx.msk [tilespmem:v11+s7+$0x0], $0xffff;
	_ =	sdelay $0x2  }
0x155: {  	v10 =	vadd.s32 v1, v10  }
0x156: {  	v5 =	vshll.u32 v5, $0x7;
	v12 =	vand.u32 $0xFFFFFF80, v10  }
0x157: {  	v10 =	vand.u32 $0x7F, v10;
	v5 =	vadd.s32 v5, v12;
	v11 =	vadd.s32 v1, v11  }
0x158: {  	v7 =	vshll.u32 v7, $0x7;
	v5 =	vor.u32 v10, v5;
	v10 =	vand.u32 $0xFFFFFF80, v11  }
0x159: {  	v11 =	vand.u32 $0x7F, v11;
	v7 =	vadd.s32 v7, v10  }
0x15a: {  	v7 =	vor.u32 v11, v7  }
0x15b: {  	v9 =	vld.idx.msk [tilespmem:v9+s19+$0x0], $0xffff;
	_ =	sdelay $0x1  }
0x15c: {  	v5 =	vld.idx.msk [tilespmem:v5+s19+$0x0], $0xffff  }
0x15d: {  	v6 =	vadd.f32 v8, v6  }
0x15e: {  	v7 =	vld.idx.msk [tilespmem:v7+s19+$0x0], $0xffff  }
0x15f: {  	s1 =	simm.s32 $0x96;
	v6 =	vadd.f32 v9, v6  }
0x160: {  	v8 =	vor.u32 s1, v0  }
0x161: {  	v5 =	vadd.f32 v5, v6;
	v6 =	vadd.s32 v4, v8;
	_ =	sdelay $0x1  }
0x162: {  	v5 =	vadd.f32 v7, v5  }
0x163: {  	s1 =	simm.s32 $0x98  }
0x164: {  	v7 =	vor.u32 s1, v0;
	[tilespmem:$0xFCA0] =	vst v5  }
0x165: {  	v5 =	vld.idx.msk [tilespmem:v6+s7+$0x0], $0xffff;
	v6 =	vadd.s32 v4, v7;
	_ =	sdelay $0x4  }
0x166: {  	s1 =	simm.s32 $0x9A;
	v6 =	vld.idx.msk [tilespmem:v6+s7+$0x0], $0xffff;
	v9 =	vadd.s32 v1, v5  }
0x167: {  	v8 =	vshll.u32 v8, $0x7;
	v5 =	vor.u32 s1, v0;
	v10 =	vand.u32 $0xFFFFFF80, v9  }
0x168: {  	v11 =	vadd.s32 v4, v5;
	v9 =	vand.u32 $0x7F, v9;
	v8 =	vadd.s32 v8, v10  }
0x169: {  	v8 =	vor.u32 v9, v8;
	_ =	sdelay $0x1  }
0x16a: {  	v6 =	vadd.s32 v1, v6  }
0x16b: {  	v63 =	vshll.u32 v7, $0x7;
	s1 =	simm.s32 $0x9C;
	v9 =	vand.u32 $0xFFFFFF80, v6  }
0x16c: {  	v7 =	vor.u32 s1, v0;
	v10 =	vld.idx.msk [tilespmem:v11+s7+$0x0], $0xffff;
	v13 =	vand.u32 $0x7F, v6;
	v9 =	vadd.s32 v63, v9  }
0x16d: {  	s31 =	simm.s32 $0x9E;
	v6 =	vimm.f32 $0.0e+00;
	v11 =	vadd.s32 v4, v7;
	v8 =	vld.idx.msk [tilespmem:v8+s19+$0x0], $0xffff;
	v9 =	vor.u32 v13, v9  }
.LBB2_17:
0x16e: {  	_ = 	snop  }
0x16f: {  	p1 =	sne.s32 s31, $0xC6  }
.Ltmp7:
0x170: {  	_ = 	snop;
	(pc) =	sbr.rel @p1 .LBB2_17-.Ltmp7, $4  }
0x171: {  	v13 =	vadd.s32 v1, v10  }
0x172: {  	v12 =	vor.u32 s31, v0;
	v15 =	vshll.u32 v5, $0x7;
	v14 =	vand.u32 $0xFFFFFF80, v13  }
0x173: {  	v5 =	vmovc v7;
	v7 =	vmov v12;
	v10 =	vld.idx.msk [tilespmem:v11+s7+$0x0], $0xffff;
	v62 =	vand.u32 $0x7F, v13;
	v63 =	vadd.s32 v15, v14  }
0x174: {  	s31 =	sadd.s32 $0x2, s31;
	v11 =	vadd.s32 v4, v12;
	v6 =	vadd.f32 v8, v6;
	v8 =	vld.idx.msk [tilespmem:v9+s19+$0x0], $0xffff;
	v9 =	vor.u32 v62, v63  }
0x175: {  	_ =	sdelay $0x3  }
0x176: {  	v4 =	vld.idx.msk [tilespmem:v11+s7+$0x0], $0xffff;
	_ =	sdelay $0x2  }
0x177: {  	v10 =	vadd.s32 v1, v10  }
0x178: {  	v5 =	vshll.u32 v5, $0x7;
	v60 =	vand.u32 $0xFFFFFF80, v10  }
0x179: {  	v10 =	vand.u32 $0x7F, v10;
	v5 =	vadd.s32 v5, v60;
	v4 =	vadd.s32 v1, v4  }
0x17a: {  	v7 =	vshll.u32 v7, $0x7;
	v5 =	vor.u32 v10, v5;
	v61 =	vand.u32 $0xFFFFFF80, v4  }
0x17b: {  	v4 =	vand.u32 $0x7F, v4;
	v7 =	vadd.s32 v7, v61  }
0x17c: {  	v4 =	vor.u32 v4, v7  }
0x17d: {  	v62 =	vld.idx.msk [tilespmem:v9+s19+$0x0], $0xffff;
	_ =	sdelay $0x1  }
0x17e: {  	v5 =	vld.idx.msk [tilespmem:v5+s19+$0x0], $0xffff  }
0x17f: {  	v6 =	vadd.f32 v8, v6  }
0x180: {  	v4 =	vld.idx.msk [tilespmem:v4+s19+$0x0], $0xffff  }
0x181: {  	v6 =	vadd.f32 v62, v6;
	_ =	sdelay $0x1  }
0x182: {  	v5 =	vadd.f32 v5, v6;
	_ =	sdelay $0x1  }
0x183: {  	v4 =	vadd.f32 v4, v5;
	_ =	sdelay $0x1  }
0x184: {  	[tilespmem:$0xFCB0] =	vst v4  }
0x185: {  	v4 =	vld @!p0 [tilespmem:s29+$0x258];
	_ =	sdelay $0x4  }
0x186: {  	[tilespmem:$0xFE00] =	vst @!p0 v4  }
0x187: {  	v4 =	vld @!p0 [tilespmem:s29+$0x268];
	_ =	sdelay $0x4  }
0x188: {  	[tilespmem:$0xFE10] =	vst @!p0 v4  }
0x189: {  	v4 =	vld @!p0 [tilespmem:s29+$0x278];
	_ =	sdelay $0x4  }
0x18a: {  	[tilespmem:$0xFE20] =	vst @!p0 v4  }
0x18b: {  	v4 =	vld @!p0 [tilespmem:s29+$0x288];
	_ =	sdelay $0x4  }
0x18c: {  	[tilespmem:$0xFE30] =	vst @!p0 v4  }
0x18d: {  	v4 =	vld @!p0 [tilespmem:s29+$0x298];
	_ =	sdelay $0x4  }
0x18e: {  	[tilespmem:$0xFE40] =	vst @!p0 v4  }
0x18f: {  	v4 =	vld @!p0 [tilespmem:s29+$0x2A8];
	_ =	sdelay $0x4  }
0x190: {  	[tilespmem:$0xFE50] =	vst @!p0 v4  }
0x191: {  	v4 =	vld @!p0 [tilespmem:s29+$0x2B0];
	_ =	sdelay $0x4  }
0x192: {  	[tilespmem:$0xFE58] =	vst @!p0 v4  }
0x193: {  	v4 =	vld @!p0 [tilespmem:s29+$0x2C0];
	_ =	sdelay $0x4  }
0x194: {  	[tilespmem:$0xFE80] =	vst @!p0 v4  }
0x195: {  	v4 =	vld @!p0 [tilespmem:s29+$0x2D0];
	_ =	sdelay $0x4  }
0x196: {  	[tilespmem:$0xFE90] =	vst @!p0 v4  }
0x197: {  	v4 =	vld @!p0 [tilespmem:s29+$0x2E0];
	_ =	sdelay $0x4  }
0x198: {  	[tilespmem:$0xFEA0] =	vst @!p0 v4  }
0x199: {  	v4 =	vld @!p0 [tilespmem:s29+$0x2F0];
	_ =	sdelay $0x4  }
0x19a: {  	[tilespmem:$0xFEB0] =	vst @!p0 v4  }
0x19b: {  	v4 =	vld @!p0 [tilespmem:s29+$0x300];
	_ =	sdelay $0x4  }
0x19c: {  	[tilespmem:$0xFEC0] =	vst @!p0 v4  }
0x19d: {  	v4 =	vld @!p0 [tilespmem:s29+$0x310];
	_ =	sdelay $0x4  }
0x19e: {  	s1 =	simm.s32 @!p0 $0x68;
	s31 =	simm.s32 @!p0 $0x9600;
	s29 =	simm.s32 @!p0 $0xFE00;
	[tilespmem:$0xFED0] =	vst @!p0 v4  }
0x19f: {  	[tilespmem:s31], [sflag:$0x2] =	stream.indirect.gather @!p0 [hbm4b:s3+s1], $0x80, s29, s1, $0xb8;
	[tilespmem:$0xFF00] =	vst v63  }
0x1a0: {  	s1 =	simm.s32 @!p0 $0x60;
	s29 =	simm.s32 @!p0 $0xFE80;
	s31 =	simm.s32 @!p0 $0xCA00  }
0x1a1: {  	[tilespmem:s31], [sflag:$0x2] =	stream.indirect.gather @!p0 [hbm4b:s3+s1], $0x80, s29, s1, $0xb8;
	[tilespmem:$0xFF00] =	vst v63  }
0x1a2: {  	v4 =	vld.idx.msk [tilespmem:v2+s23+$0x0], $0xffff  }
0x1a3: {  	v5 =	vld.idx.msk [tilespmem:v3+s23+$0x0], $0xffff;
	_ =	sdelay $0x3  }
0x1a4: {  	v63 =	vld [tilespmem:$0xFA00]  }
0x1a5: {  	s28 =	sadd.s32 $0x1, s28;
	v4 =	vadd.f32 v5, v4  }
0x1a6: {  	p0 =	sne.s32 s28, $0x10  }
.Ltmp8:
0x1a7: {  	v4 =	vmul.f32 $1.999999960e-02, v4;
	(pc) =	sbr.rel @p0 .LBB2_2-.Ltmp8, $4  }
0x1a8: {  	_ = 	snop  }
0x1a9: {  	s31 =	sshll.u32 s30, $0x4;
	v4 =	vadd.f32 v4, v63  }
0x1aa: {  	s1 =	sand.u32 $0x3FFFFFF0, s31  }
0x1ab: {  	[tilespmem:s1+$0xFA80] =	vst v4  }
0x1ac: {  	s26 =	sadd.s32 $0x1, s26  }
0x1ad: {  	p0 =	sne.s32 s26, s13  }
.Ltmp9:
0x1ae: {  	_ = 	snop;
	(pc) =	sbr.rel @p0 .LBB2_1-.Ltmp9, $4  }
0x1af: {  	[hbm4b:s12+s2] =	stream.linear.scatter [tilespmem:s25], [sflag:$0x3], $0x200, $0x38;
	[tilespmem:$0xFF00] =	vst v63  }
0x1b0: {  	_ =	swait.ge [sflag:s14], $0x200  }
0x1b1: {  	[sflag:s14] =	ssyncset.done $0x0  }
0x1b2: {  	[sflag:s14] =	ssyncadd.s32 $0xFFFFFE00  }
0x1b3: {  	_ =	sfence.sel $0x180000  }
0x1b4: {  	[bflag:$0x0] =	sbarrier.arrive $0xFFFF  }
0x1b5: {  	_ =	strace $0x90000047  }
0x1b6: {  	[bflag:$0x2] =	sbarrier.arrive $0xFFFF  }
0x1b7: {  	p0 =	sne.s32 s0, $0x0;
	s0 =	rddreg [dreg:$0x2]  }
0x1b8: {  	s0 =	sadd.s32 @!p0 $0x100000, s0  }
0x1b9: {  	[sflag:s0] =	ssyncadd.tile.s32 @!p0 $0x1;
	_ =	shalt  }
.Lfunc_end2:
_tile_overlayer_lowered:
.L_overlay_start_2:
0x1ba: {  	(tag) =	ssettag $0x2  }
0x1bb: {  	s0 =	rddreg [dreg:$0x0];
	s2 =	stileid.u32  }
0x1bc: {  	s1 =	rddreg [dreg:$0x1];
	p0 =	sne.s32 s2, $0x0  }
0x1bd: {  	s3 =	rddreg [dreg:$0x2];
	[bflag:$0x3] =	sbarrier.arrive $0xFFFF;
	s2 =	simm.s32 @!p0 $0x1C03  }
0x1be: {  	[timem:s3], [sflag:s2] =	dma.local @!p0 [hbm:s0], s1  }
0x1bf: {  	s0 =	simm.s32 @!p0 $0x3  }
0x1c0: {  	_ =	swait.ge @!p0 [sflag:s0], s1  }
0x1c1: {  	s1 =	ssub.s32 @!p0 $0x0, s1;
	[sflag:s0] =	ssyncset.done @!p0 $0x0  }
0x1c2: {  	[sflag:s0] =	ssyncadd.s32 @!p0 s1  }
0x1c3: {  	[bflag:$0x3] =	sbarrier.arrive $0xFFFF  }
0x1c4: {  	_ =	shalt  }

</sc_bundles>
